<compile_context>
chip_gen: v7x
topology: tpu7x:2x2x1
jax: 0.10.2.dev20260603
libtpu: 0.0.44.dev20260713+nightly
codegen_flags: <defaults>
</compile_context>

<pallas_src>
import functools

import jax
import jax.numpy as jnp
from jax import lax
from jax.experimental import pallas as pl
from jax.experimental.pallas import tpu as pltpu
from jax.experimental.pallas import tpu_sc as plsc

VOCAB = 1000000
EMBED = 64
B = 4096 * 200
IDXW = 128
NW = 32
ROWS_PER_W = B // NW
SUPER = 1024
CHUNK = 512
N_SUPER = ROWS_PER_W // SUPER
SCALE = 8.0

_mesh = plsc.VectorSubcoreMesh(core_axis_name="c", subcore_axis_name="s")


@functools.partial(
    pl.kernel,
    mesh=_mesh,
    out_type=jax.ShapeDtypeStruct((B, EMBED), jnp.float32),
    scratch_types=[
        pltpu.VMEM((SUPER // IDXW, IDXW), jnp.int32),
        pltpu.VMEM((CHUNK, EMBED), jnp.float32),
        pltpu.SemaphoreType.DMA,
    ],
    compiler_params=pltpu.CompilerParams(
        use_tc_tiling_on_sc=False, needs_layout_passes=False
    ),
)
def _embed(idx_hbm, table_hbm, out_hbm, idx_v, rows_v, sem):
    wid = lax.axis_index("s") * 2 + lax.axis_index("c")
    row_base = wid * ROWS_PER_W

    def super_body(si, carry):
        srow0 = pl.multiple_of(row_base + si * SUPER, SUPER)
        irow0 = pl.multiple_of(srow0 // IDXW, SUPER // IDXW)
        pltpu.sync_copy(idx_hbm.at[pl.ds(irow0, SUPER // IDXW)], idx_v)
        for h in range(SUPER // CHUNK):
            copies = []
            for j in range(CHUNK // IDXW):
                copies.append(
                    pltpu.async_copy(
                        table_hbm.at[idx_v.at[h * (CHUNK // IDXW) + j]],
                        rows_v.at[pl.ds(j * IDXW, IDXW)],
                        sem,
                    )
                )
            for c in copies:
                c.wait()

            def scale_body(i, c):
                for j in range(EMBED // 16):
                    sl = (i, pl.ds(j * 16, 16))
                    rows_v[sl] = rows_v[sl] * SCALE
                return c

            lax.fori_loop(0, CHUNK, scale_body, 0, unroll=2)
            pltpu.sync_copy(
                rows_v, out_hbm.at[pl.ds(srow0 + h * CHUNK, CHUNK)]
            )
        return carry

    lax.fori_loop(0, N_SUPER, super_body, 0)


def kernel(token_ids, table):
    ids = token_ids.astype(jnp.int32).reshape(B // IDXW, IDXW)
    out = _embed(ids, table)
    return out.reshape(token_ids.shape + (EMBED,))

# --- scband reference (transcript-rebuilt; emitter-appended) ---
"""Pipeline reference for scband-token-embedder-12610023981668 (READ-ONLY COPY).

The authoritative reference and input builder live on the scoring server;
editing this copy changes nothing except your own understanding.
"""

import math
import jax, jax.numpy as jnp
import numpy as np

VOCAB = 1000000
EMBED = 64


def setup_inputs(seed: int = 0) -> dict:
    key = jax.random.key(seed)
    k_idx, k_tab = jax.random.split(key)
    token_ids = jax.random.randint(k_idx, (4096, 200), 0, VOCAB, dtype=jnp.int64 if jax.config.jax_enable_x64 else jnp.int32)
    table = jax.random.normal(k_tab, (VOCAB, EMBED), dtype=jnp.float32) * 0.02
    return {"token_ids": token_ids, "table": table}


def reference(token_ids, table):
    # Embedding lookup (gather) followed by scale by sqrt(embedding_size)
    token_embeddings = jnp.take(table, token_ids, axis=0)
    token_embeddings = token_embeddings * math.sqrt(EMBED)
    return token_embeddings

if __name__ == "__main__":
    import jax
    _d = setup_inputs()
    print(jax.jit(kernel)(*tuple(_d.values())))

</pallas_src>

<mosaic_0001>
#map = affine_map<(d0, d1) -> (0, 0)>
module attributes {stable_mosaic.version = 14 : i64} {
  func.func @_embed(%arg0: i32, %arg1: i32, %arg2: memref<6400x128xi32, #tpu.memory_space<hbm>>, %arg3: memref<1000000x64xf32, #tpu.memory_space<hbm>>, %arg4: memref<819200x64xf32, #tpu.memory_space<hbm>>, %arg5: memref<8x128xi32, #tpu.memory_space<vmem>>, %arg6: memref<512x64xf32, #tpu.memory_space<vmem>>, %arg7: memref<!tpu.dma_semaphore, #tpu.memory_space<semaphore_mem>>) attributes {dimension_semantics = [#tpu.dimension_semantics<core_parallel>, #tpu.dimension_semantics<subcore_parallel>], iteration_bounds = array<i64: 2, 16>, scalar_prefetch = 0 : i64, scratch_operands = 3 : i64, tpu.core_type = #tpu.core_type<sc_vector_subcore>, window_params = [{transform_indices = #map}, {transform_indices = #map}, {transform_indices = #map}]} {
    %mul3A = arith.constant 2 : i32
    %mul3A_0 = arith.muli %arg1, %mul3A : i32
    %add3A = arith.addi %mul3A_0, %arg0 : i32
    %mul3A_1 = arith.constant 25600 : i32
    %mul3A_2 = arith.muli %add3A, %mul3A_1 : i32
    %scan3A = arith.constant 0 : i32
    %scan3A_3 = arith.constant 0 : i32
    %scan3A_4 = arith.constant 25 : i32
    %scan3A_5 = arith.addi %scan3A_3, %scan3A_4 : i32
    %scan3A_6 = arith.constant 1 : i32
    scf.for %scan3A_8 = %scan3A_3 to %scan3A_5 step %scan3A_6  : i32 {
      %mul3A_9 = arith.constant 1024 : i32
      %mul3A_10 = arith.muli %scan3A_8, %mul3A_9 : i32
      %add3A_11 = arith.addi %mul3A_2, %mul3A_10 : i32
      %multiple_of3A = tpu.assume_multiple %add3A_11, 1024 : i32
      %jit3A = arith.constant 128 : i32
      %div3A = arith.divsi %multiple_of3A, %jit3A : i32
      %sign3A = arith.constant 0 : i32
      %sign3A_12 = arith.cmpi sgt, %multiple_of3A, %sign3A : i32
      %sign3A_13 = arith.extui %sign3A_12 : i1 to i32
      %sign3A_14 = arith.constant 0 : i32
      %sign3A_15 = arith.cmpi slt, %multiple_of3A, %sign3A_14 : i32
      %sign3A_16 = arith.extui %sign3A_15 : i1 to i32
      %sign3A_17 = arith.subi %sign3A_13, %sign3A_16 : i32
      %sign3A_18 = arith.constant 0 : i32
      %sign3A_19 = arith.cmpi sgt, %jit3A, %sign3A_18 : i32
      %sign3A_20 = arith.extui %sign3A_19 : i1 to i32
      %sign3A_21 = arith.constant 0 : i32
      %sign3A_22 = arith.cmpi slt, %jit3A, %sign3A_21 : i32
      %sign3A_23 = arith.extui %sign3A_22 : i1 to i32
      %sign3A_24 = arith.subi %sign3A_20, %sign3A_23 : i32
      %ne3A = arith.cmpi ne, %sign3A_17, %sign3A_24 : i32
      %rem3A = arith.remsi %multiple_of3A, %jit3A : i32
      %ne3A_25 = arith.constant 0 : i32
      %ne3A_26 = arith.cmpi ne, %rem3A, %ne3A_25 : i32
      %and3A = arith.andi %ne3A, %ne3A_26 : i1
      %sub3A = arith.constant 1 : i32
      %sub3A_27 = arith.subi %div3A, %sub3A : i32
      %select_n3A = arith.select %and3A, %sub3A_27, %div3A : i32
      %multiple_of3A_28 = tpu.assume_multiple %select_n3A, 8 : i32
      "tpu.region"() ({
        %run_scoped3A = tpu.sem_alloc : memref<!tpu.dma_semaphore, #tpu.memory_space<semaphore_mem>>
        %dma_start3A_203 = arith.constant 0 : i32
        %dma_start3A_204 = tpu.memref_slice %arg2[%multiple_of3A_28, %dma_start3A_203] : memref<6400x128xi32, #tpu.memory_space<hbm>> -> memref<8x128xi32, #tpu.memory_space<hbm>>
        %dma_start3A_205 = arith.constant 0 : i32
        %dma_start3A_206 = tpu.memref_slice %arg2[%multiple_of3A_28, %dma_start3A_205] : memref<6400x128xi32, #tpu.memory_space<hbm>> -> memref<8x128xi32, #tpu.memory_space<hbm>>
        tpu.enqueue_dma source(%dma_start3A_206 : memref<8x128xi32, #tpu.memory_space<hbm>>) target(%arg5 : memref<8x128xi32, #tpu.memory_space<vmem>>) target_semaphore(%run_scoped3A : memref<!tpu.dma_semaphore, #tpu.memory_space<semaphore_mem>>)
        %dma_wait3A_207 = arith.constant 0 : i32
        %dma_wait3A_208 = tpu.memref_slice %arg2[%multiple_of3A_28, %dma_wait3A_207] : memref<6400x128xi32, #tpu.memory_space<hbm>> -> memref<8x128xi32, #tpu.memory_space<hbm>>
        %dma_wait3A_209 = arith.constant 0 : i32
        %dma_wait3A_210 = tpu.memref_slice %arg2[%multiple_of3A_28, %dma_wait3A_209] : memref<6400x128xi32, #tpu.memory_space<hbm>> -> memref<8x128xi32, #tpu.memory_space<hbm>>
        tpu.wait_dma2 semaphore(%run_scoped3A : memref<!tpu.dma_semaphore, #tpu.memory_space<semaphore_mem>>) src(%dma_wait3A_210 : memref<8x128xi32, #tpu.memory_space<hbm>>) dst(%arg5 : memref<8x128xi32, #tpu.memory_space<vmem>>)
        tpu.yield
      }) : () -> ()
      %dma_start3A = arith.constant 0 : i32
      %dma_start3A_29 = arith.constant 0 : i32
      %dma_start3A_30 = arith.constant 0 : i32
      %dma_start3A_31 = tpu.memref_slice %arg6[%dma_start3A_29, %dma_start3A_30] : memref<512x64xf32, #tpu.memory_space<vmem>> -> memref<128x64xf32, #tpu.memory_space<vmem>>
      %dma_start3A_32 = arith.constant 0 : i32
      %dma_start3A_33 = tpu.memref_slice %arg5[%dma_start3A, %dma_start3A_32] : memref<8x128xi32, #tpu.memory_space<vmem>> -> memref<1x128xi32, #tpu.memory_space<vmem>>
      %dma_start3A_34 = tpu.memref_squeeze %dma_start3A_33 : memref<1x128xi32, #tpu.memory_space<vmem>> -> memref<128xi32, #tpu.memory_space<vmem>>
      %dma_start3A_35 = arith.constant 0 : i32
      %dma_start3A_36 = arith.constant 0 : i32
      %dma_start3A_37 = tpu.memref_slice %arg3[%dma_start3A_35, %dma_start3A_36] : memref<1000000x64xf32, #tpu.memory_space<hbm>> -> memref<1000000x64xf32, #tpu.memory_space<hbm>>
      tpu.enqueue_indirect_dma source(%dma_start3A_37 : memref<1000000x64xf32, #tpu.memory_space<hbm>>) target(%dma_start3A_31 : memref<128x64xf32, #tpu.memory_space<vmem>>) offsets(%dma_start3A_34 : memref<128xi32, #tpu.memory_space<vmem>>) semaphore(%arg7 : memref<!tpu.dma_semaphore, #tpu.memory_space<semaphore_mem>>)
      %dma_start3A_38 = arith.constant 1 : i32
      %dma_start3A_39 = arith.constant 128 : i32
      %dma_start3A_40 = arith.constant 0 : i32
      %dma_start3A_41 = tpu.memref_slice %arg6[%dma_start3A_39, %dma_start3A_40] : memref<512x64xf32, #tpu.memory_space<vmem>> -> memref<128x64xf32, #tpu.memory_space<vmem>>
      %dma_start3A_42 = arith.constant 0 : i32
      %dma_start3A_43 = tpu.memref_slice %arg5[%dma_start3A_38, %dma_start3A_42] : memref<8x128xi32, #tpu.memory_space<vmem>> -> memref<1x128xi32, #tpu.memory_space<vmem>>
      %dma_start3A_44 = tpu.memref_squeeze %dma_start3A_43 : memref<1x128xi32, #tpu.memory_space<vmem>> -> memref<128xi32, #tpu.memory_space<vmem>>
      %dma_start3A_45 = arith.constant 0 : i32
      %dma_start3A_46 = arith.constant 0 : i32
      %dma_start3A_47 = tpu.memref_slice %arg3[%dma_start3A_45, %dma_start3A_46] : memref<1000000x64xf32, #tpu.memory_space<hbm>> -> memref<1000000x64xf32, #tpu.memory_space<hbm>>
      tpu.enqueue_indirect_dma source(%dma_start3A_47 : memref<1000000x64xf32, #tpu.memory_space<hbm>>) target(%dma_start3A_41 : memref<128x64xf32, #tpu.memory_space<vmem>>) offsets(%dma_start3A_44 : memref<128xi32, #tpu.memory_space<vmem>>) semaphore(%arg7 : memref<!tpu.dma_semaphore, #tpu.memory_space<semaphore_mem>>)
      %dma_start3A_48 = arith.constant 2 : i32
      %dma_start3A_49 = arith.constant 256 : i32
      %dma_start3A_50 = arith.constant 0 : i32
      %dma_start3A_51 = tpu.memref_slice %arg6[%dma_start3A_49, %dma_start3A_50] : memref<512x64xf32, #tpu.memory_space<vmem>> -> memref<128x64xf32, #tpu.memory_space<vmem>>
      %dma_start3A_52 = arith.constant 0 : i32
      %dma_start3A_53 = tpu.memref_slice %arg5[%dma_start3A_48, %dma_start3A_52] : memref<8x128xi32, #tpu.memory_space<vmem>> -> memref<1x128xi32, #tpu.memory_space<vmem>>
      %dma_start3A_54 = tpu.memref_squeeze %dma_start3A_53 : memref<1x128xi32, #tpu.memory_space<vmem>> -> memref<128xi32, #tpu.memory_space<vmem>>
      %dma_start3A_55 = arith.constant 0 : i32
      %dma_start3A_56 = arith.constant 0 : i32
      %dma_start3A_57 = tpu.memref_slice %arg3[%dma_start3A_55, %dma_start3A_56] : memref<1000000x64xf32, #tpu.memory_space<hbm>> -> memref<1000000x64xf32, #tpu.memory_space<hbm>>
      tpu.enqueue_indirect_dma source(%dma_start3A_57 : memref<1000000x64xf32, #tpu.memory_space<hbm>>) target(%dma_start3A_51 : memref<128x64xf32, #tpu.memory_space<vmem>>) offsets(%dma_start3A_54 : memref<128xi32, #tpu.memory_space<vmem>>) semaphore(%arg7 : memref<!tpu.dma_semaphore, #tpu.memory_space<semaphore_mem>>)
      %dma_start3A_58 = arith.constant 3 : i32
      %dma_start3A_59 = arith.constant 384 : i32
      %dma_start3A_60 = arith.constant 0 : i32
      %dma_start3A_61 = tpu.memref_slice %arg6[%dma_start3A_59, %dma_start3A_60] : memref<512x64xf32, #tpu.memory_space<vmem>> -> memref<128x64xf32, #tpu.memory_space<vmem>>
      %dma_start3A_62 = arith.constant 0 : i32
      %dma_start3A_63 = tpu.memref_slice %arg5[%dma_start3A_58, %dma_start3A_62] : memref<8x128xi32, #tpu.memory_space<vmem>> -> memref<1x128xi32, #tpu.memory_space<vmem>>
      %dma_start3A_64 = tpu.memref_squeeze %dma_start3A_63 : memref<1x128xi32, #tpu.memory_space<vmem>> -> memref<128xi32, #tpu.memory_space<vmem>>
      %dma_start3A_65 = arith.constant 0 : i32
      %dma_start3A_66 = arith.constant 0 : i32
      %dma_start3A_67 = tpu.memref_slice %arg3[%dma_start3A_65, %dma_start3A_66] : memref<1000000x64xf32, #tpu.memory_space<hbm>> -> memref<1000000x64xf32, #tpu.memory_space<hbm>>
      tpu.enqueue_indirect_dma source(%dma_start3A_67 : memref<1000000x64xf32, #tpu.memory_space<hbm>>) target(%dma_start3A_61 : memref<128x64xf32, #tpu.memory_space<vmem>>) offsets(%dma_start3A_64 : memref<128xi32, #tpu.memory_space<vmem>>) semaphore(%arg7 : memref<!tpu.dma_semaphore, #tpu.memory_space<semaphore_mem>>)
      %dma_wait3A = arith.constant 0 : i32
      %dma_wait3A_68 = arith.constant 0 : i32
      %dma_wait3A_69 = arith.constant 0 : i32
      %dma_wait3A_70 = tpu.memref_slice %arg6[%dma_wait3A_68, %dma_wait3A_69] : memref<512x64xf32, #tpu.memory_space<vmem>> -> memref<128x64xf32, #tpu.memory_space<vmem>>
      %dma_wait3A_71 = arith.constant 0 : i32
      %dma_wait3A_72 = tpu.memref_slice %arg5[%dma_wait3A, %dma_wait3A_71] : memref<8x128xi32, #tpu.memory_space<vmem>> -> memref<1x128xi32, #tpu.memory_space<vmem>>
      %dma_wait3A_73 = tpu.memref_squeeze %dma_wait3A_72 : memref<1x128xi32, #tpu.memory_space<vmem>> -> memref<128xi32, #tpu.memory_space<vmem>>
      %dma_wait3A_74 = arith.constant 0 : i32
      %dma_wait3A_75 = arith.constant 0 : i32
      %dma_wait3A_76 = tpu.memref_slice %arg3[%dma_wait3A_74, %dma_wait3A_75] : memref<1000000x64xf32, #tpu.memory_space<hbm>> -> memref<1000000x64xf32, #tpu.memory_space<hbm>>
      tpu.wait_indirect_dma semaphore(%arg7 : memref<!tpu.dma_semaphore, #tpu.memory_space<semaphore_mem>>) src(%dma_wait3A_76 : memref<1000000x64xf32, #tpu.memory_space<hbm>>) dst(%dma_wait3A_70 : memref<128x64xf32, #tpu.memory_space<vmem>>)
      %dma_wait3A_77 = arith.constant 1 : i32
      %dma_wait3A_78 = arith.constant 128 : i32
      %dma_wait3A_79 = arith.constant 0 : i32
      %dma_wait3A_80 = tpu.memref_slice %arg6[%dma_wait3A_78, %dma_wait3A_79] : memref<512x64xf32, #tpu.memory_space<vmem>> -> memref<128x64xf32, #tpu.memory_space<vmem>>
      %dma_wait3A_81 = arith.constant 0 : i32
      %dma_wait3A_82 = tpu.memref_slice %arg5[%dma_wait3A_77, %dma_wait3A_81] : memref<8x128xi32, #tpu.memory_space<vmem>> -> memref<1x128xi32, #tpu.memory_space<vmem>>
      %dma_wait3A_83 = tpu.memref_squeeze %dma_wait3A_82 : memref<1x128xi32, #tpu.memory_space<vmem>> -> memref<128xi32, #tpu.memory_space<vmem>>
      %dma_wait3A_84 = arith.constant 0 : i32
      %dma_wait3A_85 = arith.constant 0 : i32
      %dma_wait3A_86 = tpu.memref_slice %arg3[%dma_wait3A_84, %dma_wait3A_85] : memref<1000000x64xf32, #tpu.memory_space<hbm>> -> memref<1000000x64xf32, #tpu.memory_space<hbm>>
      tpu.wait_indirect_dma semaphore(%arg7 : memref<!tpu.dma_semaphore, #tpu.memory_space<semaphore_mem>>) src(%dma_wait3A_86 : memref<1000000x64xf32, #tpu.memory_space<hbm>>) dst(%dma_wait3A_80 : memref<128x64xf32, #tpu.memory_space<vmem>>)
      %dma_wait3A_87 = arith.constant 2 : i32
      %dma_wait3A_88 = arith.constant 256 : i32
      %dma_wait3A_89 = arith.constant 0 : i32
      %dma_wait3A_90 = tpu.memref_slice %arg6[%dma_wait3A_88, %dma_wait3A_89] : memref<512x64xf32, #tpu.memory_space<vmem>> -> memref<128x64xf32, #tpu.memory_space<vmem>>
      %dma_wait3A_91 = arith.constant 0 : i32
      %dma_wait3A_92 = tpu.memref_slice %arg5[%dma_wait3A_87, %dma_wait3A_91] : memref<8x128xi32, #tpu.memory_space<vmem>> -> memref<1x128xi32, #tpu.memory_space<vmem>>
      %dma_wait3A_93 = tpu.memref_squeeze %dma_wait3A_92 : memref<1x128xi32, #tpu.memory_space<vmem>> -> memref<128xi32, #tpu.memory_space<vmem>>
      %dma_wait3A_94 = arith.constant 0 : i32
      %dma_wait3A_95 = arith.constant 0 : i32
      %dma_wait3A_96 = tpu.memref_slice %arg3[%dma_wait3A_94, %dma_wait3A_95] : memref<1000000x64xf32, #tpu.memory_space<hbm>> -> memref<1000000x64xf32, #tpu.memory_space<hbm>>
      tpu.wait_indirect_dma semaphore(%arg7 : memref<!tpu.dma_semaphore, #tpu.memory_space<semaphore_mem>>) src(%dma_wait3A_96 : memref<1000000x64xf32, #tpu.memory_space<hbm>>) dst(%dma_wait3A_90 : memref<128x64xf32, #tpu.memory_space<vmem>>)
      %dma_wait3A_97 = arith.constant 3 : i32
      %dma_wait3A_98 = arith.constant 384 : i32
      %dma_wait3A_99 = arith.constant 0 : i32
      %dma_wait3A_100 = tpu.memref_slice %arg6[%dma_wait3A_98, %dma_wait3A_99] : memref<512x64xf32, #tpu.memory_space<vmem>> -> memref<128x64xf32, #tpu.memory_space<vmem>>
      %dma_wait3A_101 = arith.constant 0 : i32
      %dma_wait3A_102 = tpu.memref_slice %arg5[%dma_wait3A_97, %dma_wait3A_101] : memref<8x128xi32, #tpu.memory_space<vmem>> -> memref<1x128xi32, #tpu.memory_space<vmem>>
      %dma_wait3A_103 = tpu.memref_squeeze %dma_wait3A_102 : memref<1x128xi32, #tpu.memory_space<vmem>> -> memref<128xi32, #tpu.memory_space<vmem>>
      %dma_wait3A_104 = arith.constant 0 : i32
      %dma_wait3A_105 = arith.constant 0 : i32
      %dma_wait3A_106 = tpu.memref_slice %arg3[%dma_wait3A_104, %dma_wait3A_105] : memref<1000000x64xf32, #tpu.memory_space<hbm>> -> memref<1000000x64xf32, #tpu.memory_space<hbm>>
      tpu.wait_indirect_dma semaphore(%arg7 : memref<!tpu.dma_semaphore, #tpu.memory_space<semaphore_mem>>) src(%dma_wait3A_106 : memref<1000000x64xf32, #tpu.memory_space<hbm>>) dst(%dma_wait3A_100 : memref<128x64xf32, #tpu.memory_space<vmem>>)
      %scan3A_107 = arith.constant 0 : i32
      %scan3A_108 = arith.constant 0 : i32
      %scan3A_109 = arith.constant 512 : i32
      %scan3A_110 = arith.addi %scan3A_108, %scan3A_109 : i32
      %scan3A_111 = arith.constant 2 : i32
      scf.for %scan3A_203 = %scan3A_108 to %scan3A_110 step %scan3A_111  : i32 {
        %get3A = arith.index_cast %scan3A_203 : i32 to index
        %get3A_204 = arith.constant 0 : index
        %get3A_205 = tpu.vector_load %arg6[%get3A, %get3A_204] {strides = array<i32>} : memref<512x64xf32, #tpu.memory_space<vmem>>, vector<16xf32>,
        %mul3A_206 = arith.constant 8.000000e+00 : f32
        %mul3A_207 = vector.broadcast %mul3A_206 : f32 to vector<16xf32>
        %mul3A_208 = arith.mulf %get3A_205, %mul3A_207 : vector<16xf32>
        %swap3A = arith.index_cast %scan3A_203 : i32 to index
        %swap3A_209 = arith.constant 0 : index
        %swap3A_210 = tpu.vector_load %arg6[%swap3A, %swap3A_209] {strides = array<i32>} : memref<512x64xf32, #tpu.memory_space<vmem>>, vector<16xf32>,
        tpu.vector_store %arg6[%swap3A, %swap3A_209], %mul3A_208 {strides = array<i32>} : memref<512x64xf32, #tpu.memory_space<vmem>>, vector<16xf32>,
        %get3A_211 = arith.index_cast %scan3A_203 : i32 to index
        %get3A_212 = arith.constant 16 : index
        %get3A_213 = tpu.vector_load %arg6[%get3A_211, %get3A_212] {strides = array<i32>} : memref<512x64xf32, #tpu.memory_space<vmem>>, vector<16xf32>,
        %mul3A_214 = arith.constant 8.000000e+00 : f32
        %mul3A_215 = vector.broadcast %mul3A_214 : f32 to vector<16xf32>
        %mul3A_216 = arith.mulf %get3A_213, %mul3A_215 : vector<16xf32>
        %swap3A_217 = arith.index_cast %scan3A_203 : i32 to index
        %swap3A_218 = arith.constant 16 : index
        %swap3A_219 = tpu.vector_load %arg6[%swap3A_217, %swap3A_218] {strides = array<i32>} : memref<512x64xf32, #tpu.memory_space<vmem>>, vector<16xf32>,
        tpu.vector_store %arg6[%swap3A_217, %swap3A_218], %mul3A_216 {strides = array<i32>} : memref<512x64xf32, #tpu.memory_space<vmem>>, vector<16xf32>,
        %get3A_220 = arith.index_cast %scan3A_203 : i32 to index
        %get3A_221 = arith.constant 32 : index
        %get3A_222 = tpu.vector_load %arg6[%get3A_220, %get3A_221] {strides = array<i32>} : memref<512x64xf32, #tpu.memory_space<vmem>>, vector<16xf32>,
        %mul3A_223 = arith.constant 8.000000e+00 : f32
        %mul3A_224 = vector.broadcast %mul3A_223 : f32 to vector<16xf32>
        %mul3A_225 = arith.mulf %get3A_222, %mul3A_224 : vector<16xf32>
        %swap3A_226 = arith.index_cast %scan3A_203 : i32 to index
        %swap3A_227 = arith.constant 32 : index
        %swap3A_228 = tpu.vector_load %arg6[%swap3A_226, %swap3A_227] {strides = array<i32>} : memref<512x64xf32, #tpu.memory_space<vmem>>, vector<16xf32>,
        tpu.vector_store %arg6[%swap3A_226, %swap3A_227], %mul3A_225 {strides = array<i32>} : memref<512x64xf32, #tpu.memory_space<vmem>>, vector<16xf32>,
        %get3A_229 = arith.index_cast %scan3A_203 : i32 to index
        %get3A_230 = arith.constant 48 : index
        %get3A_231 = tpu.vector_load %arg6[%get3A_229, %get3A_230] {strides = array<i32>} : memref<512x64xf32, #tpu.memory_space<vmem>>, vector<16xf32>,
        %mul3A_232 = arith.constant 8.000000e+00 : f32
        %mul3A_233 = vector.broadcast %mul3A_232 : f32 to vector<16xf32>
        %mul3A_234 = arith.mulf %get3A_231, %mul3A_233 : vector<16xf32>
        %swap3A_235 = arith.index_cast %scan3A_203 : i32 to index
        %swap3A_236 = arith.constant 48 : index
        %swap3A_237 = tpu.vector_load %arg6[%swap3A_235, %swap3A_236] {strides = array<i32>} : memref<512x64xf32, #tpu.memory_space<vmem>>, vector<16xf32>,
        tpu.vector_store %arg6[%swap3A_235, %swap3A_236], %mul3A_234 {strides = array<i32>} : memref<512x64xf32, #tpu.memory_space<vmem>>, vector<16xf32>,
        %scan3A_238 = arith.constant 1 : i32
        %scan3A_239 = arith.addi %scan3A_203, %scan3A_238 : i32
        %get3A_240 = arith.index_cast %scan3A_239 : i32 to index
        %get3A_241 = arith.constant 0 : index
        %get3A_242 = tpu.vector_load %arg6[%get3A_240, %get3A_241] {strides = array<i32>} : memref<512x64xf32, #tpu.memory_space<vmem>>, vector<16xf32>,
        %mul3A_243 = arith.constant 8.000000e+00 : f32
        %mul3A_244 = vector.broadcast %mul3A_243 : f32 to vector<16xf32>
        %mul3A_245 = arith.mulf %get3A_242, %mul3A_244 : vector<16xf32>
        %swap3A_246 = arith.index_cast %scan3A_239 : i32 to index
        %swap3A_247 = arith.constant 0 : index
        %swap3A_248 = tpu.vector_load %arg6[%swap3A_246, %swap3A_247] {strides = array<i32>} : memref<512x64xf32, #tpu.memory_space<vmem>>, vector<16xf32>,
        tpu.vector_store %arg6[%swap3A_246, %swap3A_247], %mul3A_245 {strides = array<i32>} : memref<512x64xf32, #tpu.memory_space<vmem>>, vector<16xf32>,
        %get3A_249 = arith.index_cast %scan3A_239 : i32 to index
        %get3A_250 = arith.constant 16 : index
        %get3A_251 = tpu.vector_load %arg6[%get3A_249, %get3A_250] {strides = array<i32>} : memref<512x64xf32, #tpu.memory_space<vmem>>, vector<16xf32>,
        %mul3A_252 = arith.constant 8.000000e+00 : f32
        %mul3A_253 = vector.broadcast %mul3A_252 : f32 to vector<16xf32>
        %mul3A_254 = arith.mulf %get3A_251, %mul3A_253 : vector<16xf32>
        %swap3A_255 = arith.index_cast %scan3A_239 : i32 to index
        %swap3A_256 = arith.constant 16 : index
        %swap3A_257 = tpu.vector_load %arg6[%swap3A_255, %swap3A_256] {strides = array<i32>} : memref<512x64xf32, #tpu.memory_space<vmem>>, vector<16xf32>,
        tpu.vector_store %arg6[%swap3A_255, %swap3A_256], %mul3A_254 {strides = array<i32>} : memref<512x64xf32, #tpu.memory_space<vmem>>, vector<16xf32>,
        %get3A_258 = arith.index_cast %scan3A_239 : i32 to index
        %get3A_259 = arith.constant 32 : index
        %get3A_260 = tpu.vector_load %arg6[%get3A_258, %get3A_259] {strides = array<i32>} : memref<512x64xf32, #tpu.memory_space<vmem>>, vector<16xf32>,
        %mul3A_261 = arith.constant 8.000000e+00 : f32
        %mul3A_262 = vector.broadcast %mul3A_261 : f32 to vector<16xf32>
        %mul3A_263 = arith.mulf %get3A_260, %mul3A_262 : vector<16xf32>
        %swap3A_264 = arith.index_cast %scan3A_239 : i32 to index
        %swap3A_265 = arith.constant 32 : index
        %swap3A_266 = tpu.vector_load %arg6[%swap3A_264, %swap3A_265] {strides = array<i32>} : memref<512x64xf32, #tpu.memory_space<vmem>>, vector<16xf32>,
        tpu.vector_store %arg6[%swap3A_264, %swap3A_265], %mul3A_263 {strides = array<i32>} : memref<512x64xf32, #tpu.memory_space<vmem>>, vector<16xf32>,
        %get3A_267 = arith.index_cast %scan3A_239 : i32 to index
        %get3A_268 = arith.constant 48 : index
        %get3A_269 = tpu.vector_load %arg6[%get3A_267, %get3A_268] {strides = array<i32>} : memref<512x64xf32, #tpu.memory_space<vmem>>, vector<16xf32>,
        %mul3A_270 = arith.constant 8.000000e+00 : f32
        %mul3A_271 = vector.broadcast %mul3A_270 : f32 to vector<16xf32>
        %mul3A_272 = arith.mulf %get3A_269, %mul3A_271 : vector<16xf32>
        %swap3A_273 = arith.index_cast %scan3A_239 : i32 to index
        %swap3A_274 = arith.constant 48 : index
        %swap3A_275 = tpu.vector_load %arg6[%swap3A_273, %swap3A_274] {strides = array<i32>} : memref<512x64xf32, #tpu.memory_space<vmem>>, vector<16xf32>,
        tpu.vector_store %arg6[%swap3A_273, %swap3A_274], %mul3A_272 {strides = array<i32>} : memref<512x64xf32, #tpu.memory_space<vmem>>, vector<16xf32>,
      }
      %scan3A_112 = arith.constant 512 : i32
      %add3A_113 = arith.constant 0 : i32
      %add3A_114 = arith.addi %multiple_of3A, %add3A_113 : i32
      "tpu.region"() ({
        %run_scoped3A = tpu.sem_alloc : memref<!tpu.dma_semaphore, #tpu.memory_space<semaphore_mem>>
        %dma_start3A_203 = arith.constant 0 : i32
        %dma_start3A_204 = tpu.memref_slice %arg4[%add3A_114, %dma_start3A_203] : memref<819200x64xf32, #tpu.memory_space<hbm>> -> memref<512x64xf32, #tpu.memory_space<hbm>>
        %dma_start3A_205 = arith.constant 0 : i32
        %dma_start3A_206 = tpu.memref_slice %arg4[%add3A_114, %dma_start3A_205] : memref<819200x64xf32, #tpu.memory_space<hbm>> -> memref<512x64xf32, #tpu.memory_space<hbm>>
        tpu.enqueue_dma source(%arg6 : memref<512x64xf32, #tpu.memory_space<vmem>>) target(%dma_start3A_206 : memref<512x64xf32, #tpu.memory_space<hbm>>) target_semaphore(%run_scoped3A : memref<!tpu.dma_semaphore, #tpu.memory_space<semaphore_mem>>)
        %dma_wait3A_207 = arith.constant 0 : i32
        %dma_wait3A_208 = tpu.memref_slice %arg4[%add3A_114, %dma_wait3A_207] : memref<819200x64xf32, #tpu.memory_space<hbm>> -> memref<512x64xf32, #tpu.memory_space<hbm>>
        %dma_wait3A_209 = arith.constant 0 : i32
        %dma_wait3A_210 = tpu.memref_slice %arg4[%add3A_114, %dma_wait3A_209] : memref<819200x64xf32, #tpu.memory_space<hbm>> -> memref<512x64xf32, #tpu.memory_space<hbm>>
        tpu.wait_dma2 semaphore(%run_scoped3A : memref<!tpu.dma_semaphore, #tpu.memory_space<semaphore_mem>>) src(%arg6 : memref<512x64xf32, #tpu.memory_space<vmem>>) dst(%dma_wait3A_210 : memref<512x64xf32, #tpu.memory_space<hbm>>)
        tpu.yield
      }) : () -> ()
      %dma_start3A_115 = arith.constant 4 : i32
      %dma_start3A_116 = arith.constant 0 : i32
      %dma_start3A_117 = arith.constant 0 : i32
      %dma_start3A_118 = tpu.memref_slice %arg6[%dma_start3A_116, %dma_start3A_117] : memref<512x64xf32, #tpu.memory_space<vmem>> -> memref<128x64xf32, #tpu.memory_space<vmem>>
      %dma_start3A_119 = arith.constant 0 : i32
      %dma_start3A_120 = tpu.memref_slice %arg5[%dma_start3A_115, %dma_start3A_119] : memref<8x128xi32, #tpu.memory_space<vmem>> -> memref<1x128xi32, #tpu.memory_space<vmem>>
      %dma_start3A_121 = tpu.memref_squeeze %dma_start3A_120 : memref<1x128xi32, #tpu.memory_space<vmem>> -> memref<128xi32, #tpu.memory_space<vmem>>
      %dma_start3A_122 = arith.constant 0 : i32
      %dma_start3A_123 = arith.constant 0 : i32
      %dma_start3A_124 = tpu.memref_slice %arg3[%dma_start3A_122, %dma_start3A_123] : memref<1000000x64xf32, #tpu.memory_space<hbm>> -> memref<1000000x64xf32, #tpu.memory_space<hbm>>
      tpu.enqueue_indirect_dma source(%dma_start3A_124 : memref<1000000x64xf32, #tpu.memory_space<hbm>>) target(%dma_start3A_118 : memref<128x64xf32, #tpu.memory_space<vmem>>) offsets(%dma_start3A_121 : memref<128xi32, #tpu.memory_space<vmem>>) semaphore(%arg7 : memref<!tpu.dma_semaphore, #tpu.memory_space<semaphore_mem>>)
      %dma_start3A_125 = arith.constant 5 : i32
      %dma_start3A_126 = arith.constant 128 : i32
      %dma_start3A_127 = arith.constant 0 : i32
      %dma_start3A_128 = tpu.memref_slice %arg6[%dma_start3A_126, %dma_start3A_127] : memref<512x64xf32, #tpu.memory_space<vmem>> -> memref<128x64xf32, #tpu.memory_space<vmem>>
      %dma_start3A_129 = arith.constant 0 : i32
      %dma_start3A_130 = tpu.memref_slice %arg5[%dma_start3A_125, %dma_start3A_129] : memref<8x128xi32, #tpu.memory_space<vmem>> -> memref<1x128xi32, #tpu.memory_space<vmem>>
      %dma_start3A_131 = tpu.memref_squeeze %dma_start3A_130 : memref<1x128xi32, #tpu.memory_space<vmem>> -> memref<128xi32, #tpu.memory_space<vmem>>
      %dma_start3A_132 = arith.constant 0 : i32
      %dma_start3A_133 = arith.constant 0 : i32
      %dma_start3A_134 = tpu.memref_slice %arg3[%dma_start3A_132, %dma_start3A_133] : memref<1000000x64xf32, #tpu.memory_space<hbm>> -> memref<1000000x64xf32, #tpu.memory_space<hbm>>
      tpu.enqueue_indirect_dma source(%dma_start3A_134 : memref<1000000x64xf32, #tpu.memory_space<hbm>>) target(%dma_start3A_128 : memref<128x64xf32, #tpu.memory_space<vmem>>) offsets(%dma_start3A_131 : memref<128xi32, #tpu.memory_space<vmem>>) semaphore(%arg7 : memref<!tpu.dma_semaphore, #tpu.memory_space<semaphore_mem>>)
      %dma_start3A_135 = arith.constant 6 : i32
      %dma_start3A_136 = arith.constant 256 : i32
      %dma_start3A_137 = arith.constant 0 : i32
      %dma_start3A_138 = tpu.memref_slice %arg6[%dma_start3A_136, %dma_start3A_137] : memref<512x64xf32, #tpu.memory_space<vmem>> -> memref<128x64xf32, #tpu.memory_space<vmem>>
      %dma_start3A_139 = arith.constant 0 : i32
      %dma_start3A_140 = tpu.memref_slice %arg5[%dma_start3A_135, %dma_start3A_139] : memref<8x128xi32, #tpu.memory_space<vmem>> -> memref<1x128xi32, #tpu.memory_space<vmem>>
      %dma_start3A_141 = tpu.memref_squeeze %dma_start3A_140 : memref<1x128xi32, #tpu.memory_space<vmem>> -> memref<128xi32, #tpu.memory_space<vmem>>
      %dma_start3A_142 = arith.constant 0 : i32
      %dma_start3A_143 = arith.constant 0 : i32
      %dma_start3A_144 = tpu.memref_slice %arg3[%dma_start3A_142, %dma_start3A_143] : memref<1000000x64xf32, #tpu.memory_space<hbm>> -> memref<1000000x64xf32, #tpu.memory_space<hbm>>
      tpu.enqueue_indirect_dma source(%dma_start3A_144 : memref<1000000x64xf32, #tpu.memory_space<hbm>>) target(%dma_start3A_138 : memref<128x64xf32, #tpu.memory_space<vmem>>) offsets(%dma_start3A_141 : memref<128xi32, #tpu.memory_space<vmem>>) semaphore(%arg7 : memref<!tpu.dma_semaphore, #tpu.memory_space<semaphore_mem>>)
      %dma_start3A_145 = arith.constant 7 : i32
      %dma_start3A_146 = arith.constant 384 : i32
      %dma_start3A_147 = arith.constant 0 : i32
      %dma_start3A_148 = tpu.memref_slice %arg6[%dma_start3A_146, %dma_start3A_147] : memref<512x64xf32, #tpu.memory_space<vmem>> -> memref<128x64xf32, #tpu.memory_space<vmem>>
      %dma_start3A_149 = arith.constant 0 : i32
      %dma_start3A_150 = tpu.memref_slice %arg5[%dma_start3A_145, %dma_start3A_149] : memref<8x128xi32, #tpu.memory_space<vmem>> -> memref<1x128xi32, #tpu.memory_space<vmem>>
      %dma_start3A_151 = tpu.memref_squeeze %dma_start3A_150 : memref<1x128xi32, #tpu.memory_space<vmem>> -> memref<128xi32, #tpu.memory_space<vmem>>
      %dma_start3A_152 = arith.constant 0 : i32
      %dma_start3A_153 = arith.constant 0 : i32
      %dma_start3A_154 = tpu.memref_slice %arg3[%dma_start3A_152, %dma_start3A_153] : memref<1000000x64xf32, #tpu.memory_space<hbm>> -> memref<1000000x64xf32, #tpu.memory_space<hbm>>
      tpu.enqueue_indirect_dma source(%dma_start3A_154 : memref<1000000x64xf32, #tpu.memory_space<hbm>>) target(%dma_start3A_148 : memref<128x64xf32, #tpu.memory_space<vmem>>) offsets(%dma_start3A_151 : memref<128xi32, #tpu.memory_space<vmem>>) semaphore(%arg7 : memref<!tpu.dma_semaphore, #tpu.memory_space<semaphore_mem>>)
      %dma_wait3A_155 = arith.constant 4 : i32
      %dma_wait3A_156 = arith.constant 0 : i32
      %dma_wait3A_157 = arith.constant 0 : i32
      %dma_wait3A_158 = tpu.memref_slice %arg6[%dma_wait3A_156, %dma_wait3A_157] : memref<512x64xf32, #tpu.memory_space<vmem>> -> memref<128x64xf32, #tpu.memory_space<vmem>>
      %dma_wait3A_159 = arith.constant 0 : i32
      %dma_wait3A_160 = tpu.memref_slice %arg5[%dma_wait3A_155, %dma_wait3A_159] : memref<8x128xi32, #tpu.memory_space<vmem>> -> memref<1x128xi32, #tpu.memory_space<vmem>>
      %dma_wait3A_161 = tpu.memref_squeeze %dma_wait3A_160 : memref<1x128xi32, #tpu.memory_space<vmem>> -> memref<128xi32, #tpu.memory_space<vmem>>
      %dma_wait3A_162 = arith.constant 0 : i32
      %dma_wait3A_163 = arith.constant 0 : i32
      %dma_wait3A_164 = tpu.memref_slice %arg3[%dma_wait3A_162, %dma_wait3A_163] : memref<1000000x64xf32, #tpu.memory_space<hbm>> -> memref<1000000x64xf32, #tpu.memory_space<hbm>>
      tpu.wait_indirect_dma semaphore(%arg7 : memref<!tpu.dma_semaphore, #tpu.memory_space<semaphore_mem>>) src(%dma_wait3A_164 : memref<1000000x64xf32, #tpu.memory_space<hbm>>) dst(%dma_wait3A_158 : memref<128x64xf32, #tpu.memory_space<vmem>>)
      %dma_wait3A_165 = arith.constant 5 : i32
      %dma_wait3A_166 = arith.constant 128 : i32
      %dma_wait3A_167 = arith.constant 0 : i32
      %dma_wait3A_168 = tpu.memref_slice %arg6[%dma_wait3A_166, %dma_wait3A_167] : memref<512x64xf32, #tpu.memory_space<vmem>> -> memref<128x64xf32, #tpu.memory_space<vmem>>
      %dma_wait3A_169 = arith.constant 0 : i32
      %dma_wait3A_170 = tpu.memref_slice %arg5[%dma_wait3A_165, %dma_wait3A_169] : memref<8x128xi32, #tpu.memory_space<vmem>> -> memref<1x128xi32, #tpu.memory_space<vmem>>
      %dma_wait3A_171 = tpu.memref_squeeze %dma_wait3A_170 : memref<1x128xi32, #tpu.memory_space<vmem>> -> memref<128xi32, #tpu.memory_space<vmem>>
      %dma_wait3A_172 = arith.constant 0 : i32
      %dma_wait3A_173 = arith.constant 0 : i32
      %dma_wait3A_174 = tpu.memref_slice %arg3[%dma_wait3A_172, %dma_wait3A_173] : memref<1000000x64xf32, #tpu.memory_space<hbm>> -> memref<1000000x64xf32, #tpu.memory_space<hbm>>
      tpu.wait_indirect_dma semaphore(%arg7 : memref<!tpu.dma_semaphore, #tpu.memory_space<semaphore_mem>>) src(%dma_wait3A_174 : memref<1000000x64xf32, #tpu.memory_space<hbm>>) dst(%dma_wait3A_168 : memref<128x64xf32, #tpu.memory_space<vmem>>)
      %dma_wait3A_175 = arith.constant 6 : i32
      %dma_wait3A_176 = arith.constant 256 : i32
      %dma_wait3A_177 = arith.constant 0 : i32
      %dma_wait3A_178 = tpu.memref_slice %arg6[%dma_wait3A_176, %dma_wait3A_177] : memref<512x64xf32, #tpu.memory_space<vmem>> -> memref<128x64xf32, #tpu.memory_space<vmem>>
      %dma_wait3A_179 = arith.constant 0 : i32
      %dma_wait3A_180 = tpu.memref_slice %arg5[%dma_wait3A_175, %dma_wait3A_179] : memref<8x128xi32, #tpu.memory_space<vmem>> -> memref<1x128xi32, #tpu.memory_space<vmem>>
      %dma_wait3A_181 = tpu.memref_squeeze %dma_wait3A_180 : memref<1x128xi32, #tpu.memory_space<vmem>> -> memref<128xi32, #tpu.memory_space<vmem>>
      %dma_wait3A_182 = arith.constant 0 : i32
      %dma_wait3A_183 = arith.constant 0 : i32
      %dma_wait3A_184 = tpu.memref_slice %arg3[%dma_wait3A_182, %dma_wait3A_183] : memref<1000000x64xf32, #tpu.memory_space<hbm>> -> memref<1000000x64xf32, #tpu.memory_space<hbm>>
      tpu.wait_indirect_dma semaphore(%arg7 : memref<!tpu.dma_semaphore, #tpu.memory_space<semaphore_mem>>) src(%dma_wait3A_184 : memref<1000000x64xf32, #tpu.memory_space<hbm>>) dst(%dma_wait3A_178 : memref<128x64xf32, #tpu.memory_space<vmem>>)
      %dma_wait3A_185 = arith.constant 7 : i32
      %dma_wait3A_186 = arith.constant 384 : i32
      %dma_wait3A_187 = arith.constant 0 : i32
      %dma_wait3A_188 = tpu.memref_slice %arg6[%dma_wait3A_186, %dma_wait3A_187] : memref<512x64xf32, #tpu.memory_space<vmem>> -> memref<128x64xf32, #tpu.memory_space<vmem>>
      %dma_wait3A_189 = arith.constant 0 : i32
      %dma_wait3A_190 = tpu.memref_slice %arg5[%dma_wait3A_185, %dma_wait3A_189] : memref<8x128xi32, #tpu.memory_space<vmem>> -> memref<1x128xi32, #tpu.memory_space<vmem>>
      %dma_wait3A_191 = tpu.memref_squeeze %dma_wait3A_190 : memref<1x128xi32, #tpu.memory_space<vmem>> -> memref<128xi32, #tpu.memory_space<vmem>>
      %dma_wait3A_192 = arith.constant 0 : i32
      %dma_wait3A_193 = arith.constant 0 : i32
      %dma_wait3A_194 = tpu.memref_slice %arg3[%dma_wait3A_192, %dma_wait3A_193] : memref<1000000x64xf32, #tpu.memory_space<hbm>> -> memref<1000000x64xf32, #tpu.memory_space<hbm>>
      tpu.wait_indirect_dma semaphore(%arg7 : memref<!tpu.dma_semaphore, #tpu.memory_space<semaphore_mem>>) src(%dma_wait3A_194 : memref<1000000x64xf32, #tpu.memory_space<hbm>>) dst(%dma_wait3A_188 : memref<128x64xf32, #tpu.memory_space<vmem>>)
      %scan3A_195 = arith.constant 0 : i32
      %scan3A_196 = arith.constant 0 : i32
      %scan3A_197 = arith.constant 512 : i32
      %scan3A_198 = arith.addi %scan3A_196, %scan3A_197 : i32
      %scan3A_199 = arith.constant 2 : i32
      scf.for %scan3A_203 = %scan3A_196 to %scan3A_198 step %scan3A_199  : i32 {
        %get3A = arith.index_cast %scan3A_203 : i32 to index
        %get3A_204 = arith.constant 0 : index
        %get3A_205 = tpu.vector_load %arg6[%get3A, %get3A_204] {strides = array<i32>} : memref<512x64xf32, #tpu.memory_space<vmem>>, vector<16xf32>,
        %mul3A_206 = arith.constant 8.000000e+00 : f32
        %mul3A_207 = vector.broadcast %mul3A_206 : f32 to vector<16xf32>
        %mul3A_208 = arith.mulf %get3A_205, %mul3A_207 : vector<16xf32>
        %swap3A = arith.index_cast %scan3A_203 : i32 to index
        %swap3A_209 = arith.constant 0 : index
        %swap3A_210 = tpu.vector_load %arg6[%swap3A, %swap3A_209] {strides = array<i32>} : memref<512x64xf32, #tpu.memory_space<vmem>>, vector<16xf32>,
        tpu.vector_store %arg6[%swap3A, %swap3A_209], %mul3A_208 {strides = array<i32>} : memref<512x64xf32, #tpu.memory_space<vmem>>, vector<16xf32>,
        %get3A_211 = arith.index_cast %scan3A_203 : i32 to index
        %get3A_212 = arith.constant 16 : index
        %get3A_213 = tpu.vector_load %arg6[%get3A_211, %get3A_212] {strides = array<i32>} : memref<512x64xf32, #tpu.memory_space<vmem>>, vector<16xf32>,
        %mul3A_214 = arith.constant 8.000000e+00 : f32
        %mul3A_215 = vector.broadcast %mul3A_214 : f32 to vector<16xf32>
        %mul3A_216 = arith.mulf %get3A_213, %mul3A_215 : vector<16xf32>
        %swap3A_217 = arith.index_cast %scan3A_203 : i32 to index
        %swap3A_218 = arith.constant 16 : index
        %swap3A_219 = tpu.vector_load %arg6[%swap3A_217, %swap3A_218] {strides = array<i32>} : memref<512x64xf32, #tpu.memory_space<vmem>>, vector<16xf32>,
        tpu.vector_store %arg6[%swap3A_217, %swap3A_218], %mul3A_216 {strides = array<i32>} : memref<512x64xf32, #tpu.memory_space<vmem>>, vector<16xf32>,
        %get3A_220 = arith.index_cast %scan3A_203 : i32 to index
        %get3A_221 = arith.constant 32 : index
        %get3A_222 = tpu.vector_load %arg6[%get3A_220, %get3A_221] {strides = array<i32>} : memref<512x64xf32, #tpu.memory_space<vmem>>, vector<16xf32>,
        %mul3A_223 = arith.constant 8.000000e+00 : f32
        %mul3A_224 = vector.broadcast %mul3A_223 : f32 to vector<16xf32>
        %mul3A_225 = arith.mulf %get3A_222, %mul3A_224 : vector<16xf32>
        %swap3A_226 = arith.index_cast %scan3A_203 : i32 to index
        %swap3A_227 = arith.constant 32 : index
        %swap3A_228 = tpu.vector_load %arg6[%swap3A_226, %swap3A_227] {strides = array<i32>} : memref<512x64xf32, #tpu.memory_space<vmem>>, vector<16xf32>,
        tpu.vector_store %arg6[%swap3A_226, %swap3A_227], %mul3A_225 {strides = array<i32>} : memref<512x64xf32, #tpu.memory_space<vmem>>, vector<16xf32>,
        %get3A_229 = arith.index_cast %scan3A_203 : i32 to index
        %get3A_230 = arith.constant 48 : index
        %get3A_231 = tpu.vector_load %arg6[%get3A_229, %get3A_230] {strides = array<i32>} : memref<512x64xf32, #tpu.memory_space<vmem>>, vector<16xf32>,
        %mul3A_232 = arith.constant 8.000000e+00 : f32
        %mul3A_233 = vector.broadcast %mul3A_232 : f32 to vector<16xf32>
        %mul3A_234 = arith.mulf %get3A_231, %mul3A_233 : vector<16xf32>
        %swap3A_235 = arith.index_cast %scan3A_203 : i32 to index
        %swap3A_236 = arith.constant 48 : index
        %swap3A_237 = tpu.vector_load %arg6[%swap3A_235, %swap3A_236] {strides = array<i32>} : memref<512x64xf32, #tpu.memory_space<vmem>>, vector<16xf32>,
        tpu.vector_store %arg6[%swap3A_235, %swap3A_236], %mul3A_234 {strides = array<i32>} : memref<512x64xf32, #tpu.memory_space<vmem>>, vector<16xf32>,
        %scan3A_238 = arith.constant 1 : i32
        %scan3A_239 = arith.addi %scan3A_203, %scan3A_238 : i32
        %get3A_240 = arith.index_cast %scan3A_239 : i32 to index
        %get3A_241 = arith.constant 0 : index
        %get3A_242 = tpu.vector_load %arg6[%get3A_240, %get3A_241] {strides = array<i32>} : memref<512x64xf32, #tpu.memory_space<vmem>>, vector<16xf32>,
        %mul3A_243 = arith.constant 8.000000e+00 : f32
        %mul3A_244 = vector.broadcast %mul3A_243 : f32 to vector<16xf32>
        %mul3A_245 = arith.mulf %get3A_242, %mul3A_244 : vector<16xf32>
        %swap3A_246 = arith.index_cast %scan3A_239 : i32 to index
        %swap3A_247 = arith.constant 0 : index
        %swap3A_248 = tpu.vector_load %arg6[%swap3A_246, %swap3A_247] {strides = array<i32>} : memref<512x64xf32, #tpu.memory_space<vmem>>, vector<16xf32>,
        tpu.vector_store %arg6[%swap3A_246, %swap3A_247], %mul3A_245 {strides = array<i32>} : memref<512x64xf32, #tpu.memory_space<vmem>>, vector<16xf32>,
        %get3A_249 = arith.index_cast %scan3A_239 : i32 to index
        %get3A_250 = arith.constant 16 : index
        %get3A_251 = tpu.vector_load %arg6[%get3A_249, %get3A_250] {strides = array<i32>} : memref<512x64xf32, #tpu.memory_space<vmem>>, vector<16xf32>,
        %mul3A_252 = arith.constant 8.000000e+00 : f32
        %mul3A_253 = vector.broadcast %mul3A_252 : f32 to vector<16xf32>
        %mul3A_254 = arith.mulf %get3A_251, %mul3A_253 : vector<16xf32>
        %swap3A_255 = arith.index_cast %scan3A_239 : i32 to index
        %swap3A_256 = arith.constant 16 : index
        %swap3A_257 = tpu.vector_load %arg6[%swap3A_255, %swap3A_256] {strides = array<i32>} : memref<512x64xf32, #tpu.memory_space<vmem>>, vector<16xf32>,
        tpu.vector_store %arg6[%swap3A_255, %swap3A_256], %mul3A_254 {strides = array<i32>} : memref<512x64xf32, #tpu.memory_space<vmem>>, vector<16xf32>,
        %get3A_258 = arith.index_cast %scan3A_239 : i32 to index
        %get3A_259 = arith.constant 32 : index
        %get3A_260 = tpu.vector_load %arg6[%get3A_258, %get3A_259] {strides = array<i32>} : memref<512x64xf32, #tpu.memory_space<vmem>>, vector<16xf32>,
        %mul3A_261 = arith.constant 8.000000e+00 : f32
        %mul3A_262 = vector.broadcast %mul3A_261 : f32 to vector<16xf32>
        %mul3A_263 = arith.mulf %get3A_260, %mul3A_262 : vector<16xf32>
        %swap3A_264 = arith.index_cast %scan3A_239 : i32 to index
        %swap3A_265 = arith.constant 32 : index
        %swap3A_266 = tpu.vector_load %arg6[%swap3A_264, %swap3A_265] {strides = array<i32>} : memref<512x64xf32, #tpu.memory_space<vmem>>, vector<16xf32>,
        tpu.vector_store %arg6[%swap3A_264, %swap3A_265], %mul3A_263 {strides = array<i32>} : memref<512x64xf32, #tpu.memory_space<vmem>>, vector<16xf32>,
        %get3A_267 = arith.index_cast %scan3A_239 : i32 to index
        %get3A_268 = arith.constant 48 : index
        %get3A_269 = tpu.vector_load %arg6[%get3A_267, %get3A_268] {strides = array<i32>} : memref<512x64xf32, #tpu.memory_space<vmem>>, vector<16xf32>,
        %mul3A_270 = arith.constant 8.000000e+00 : f32
        %mul3A_271 = vector.broadcast %mul3A_270 : f32 to vector<16xf32>
        %mul3A_272 = arith.mulf %get3A_269, %mul3A_271 : vector<16xf32>
        %swap3A_273 = arith.index_cast %scan3A_239 : i32 to index
        %swap3A_274 = arith.constant 48 : index
        %swap3A_275 = tpu.vector_load %arg6[%swap3A_273, %swap3A_274] {strides = array<i32>} : memref<512x64xf32, #tpu.memory_space<vmem>>, vector<16xf32>,
        tpu.vector_store %arg6[%swap3A_273, %swap3A_274], %mul3A_272 {strides = array<i32>} : memref<512x64xf32, #tpu.memory_space<vmem>>, vector<16xf32>,
      }
      %scan3A_200 = arith.constant 512 : i32
      %add3A_201 = arith.constant 512 : i32
      %add3A_202 = arith.addi %multiple_of3A, %add3A_201 : i32
      "tpu.region"() ({
        %run_scoped3A = tpu.sem_alloc : memref<!tpu.dma_semaphore, #tpu.memory_space<semaphore_mem>>
        %dma_start3A_203 = arith.constant 0 : i32
        %dma_start3A_204 = tpu.memref_slice %arg4[%add3A_202, %dma_start3A_203] : memref<819200x64xf32, #tpu.memory_space<hbm>> -> memref<512x64xf32, #tpu.memory_space<hbm>>
        %dma_start3A_205 = arith.constant 0 : i32
        %dma_start3A_206 = tpu.memref_slice %arg4[%add3A_202, %dma_start3A_205] : memref<819200x64xf32, #tpu.memory_space<hbm>> -> memref<512x64xf32, #tpu.memory_space<hbm>>
        tpu.enqueue_dma source(%arg6 : memref<512x64xf32, #tpu.memory_space<vmem>>) target(%dma_start3A_206 : memref<512x64xf32, #tpu.memory_space<hbm>>) target_semaphore(%run_scoped3A : memref<!tpu.dma_semaphore, #tpu.memory_space<semaphore_mem>>)
        %dma_wait3A_207 = arith.constant 0 : i32
        %dma_wait3A_208 = tpu.memref_slice %arg4[%add3A_202, %dma_wait3A_207] : memref<819200x64xf32, #tpu.memory_space<hbm>> -> memref<512x64xf32, #tpu.memory_space<hbm>>
        %dma_wait3A_209 = arith.constant 0 : i32
        %dma_wait3A_210 = tpu.memref_slice %arg4[%add3A_202, %dma_wait3A_209] : memref<819200x64xf32, #tpu.memory_space<hbm>> -> memref<512x64xf32, #tpu.memory_space<hbm>>
        tpu.wait_dma2 semaphore(%run_scoped3A : memref<!tpu.dma_semaphore, #tpu.memory_space<semaphore_mem>>) src(%arg6 : memref<512x64xf32, #tpu.memory_space<vmem>>) dst(%dma_wait3A_210 : memref<512x64xf32, #tpu.memory_space<hbm>>)
        tpu.yield
      }) : () -> ()
    }
    %scan3A_7 = arith.constant 25 : i32
    return
  }
}

</mosaic_0001>

<sc_bundles>
// kernel: kernel.3.cloned.1.call-start
scs
__scs_entry_jumppad:
0x0: {  	(pc) =	sbr.rel $0x88, $3  }
0x1: {  	(tag) =	ssettag $0x0;
	lr =	simm.s32 $0x1  }
0x2: {  	[smem:$0x3F9F] =	sst lr;
	_ =	strace $0xD0000000  }
0x3: {  	_ = 	snop  }
0x4: {  	_ = 	snop  }
0x5: {  	_ = 	snop  }
0x6: {  	_ = 	snop  }
0x7: {  	_ = 	snop  }
__scs_overlays_trampoline_lowered:
0x8: {  	[smem:$0x3FAE] =	sst s0  }
0x9: {  	[smem:$0x3FAF] =	sst s1  }
0xa: {  	[smem:$0x3FB0] =	sst s2  }
0xb: {  	[smem:$0x3FB1] =	sst s3  }
0xc: {  	[smem:$0x3FB2] =	sst s4  }
0xd: {  	[smem:$0x3FB3] =	sst s5  }
0xe: {  	[smem:$0x3FB4] =	sst s6  }
0xf: {  	[smem:$0x3FB5] =	sst s7  }
0x10: {  	[smem:$0x3FB6] =	sst s8  }
0x11: {  	[smem:$0x3FB7] =	sst s9;
	s0 =	simm.s32 @!p0 $0x0  }
0x12: {  	s1 =	sld [smem:$0x3F9D];
	s0 =	simm.s32 @p0 $0x1  }
0x13: {  	[smem:$0x3FB8] =	sst s0;
	s0 =	simm.s32 @!p1 $0x0  }
0x14: {  	s2 =	sld [smem:$0x3F9C];
	s0 =	simm.s32 @p1 $0x1  }
0x15: {  	[smem:$0x3FB9] =	sst s0;
	s0 =	simm.s32 @!p2 $0x0  }
0x16: {  	s3 =	sld [smem:$0x3FDB];
	s0 =	simm.s32 @p2 $0x1  }
0x17: {  	s4 =	simm.s32 $0x1BF5;
	[smem:$0x3FBB] =	sst s0  }
0x18: {  	s0 =	sld [smem:$0x3F9E];
	_ =	swait.ge [sflag:s4], $0x0  }
0x19: {  	s7 =	sld [smem:$0x3F9F]  }
0x1a: {  	s8 =	sadd.s32 $0xFFFFE003, lr  }
0x1b: {  	s9 =	sadd.s32 $0xFFFFFEF7, lr;
	s5 =	simm.s32 $0xFFFFFFFF;
	p2 =	slt.u32 s8, $0xFFFFF086  }
0x1c: {  	p1 =	slt.u32 s9, $0xF7A;
	s5 =	simm.s32 @!p2 $0x0  }
0x1d: {  	s5 =	simm.s32 @p1 $0x1;
	p0 =	seq.s32 s7, s2  }
0x1e: {  	s7 =	smul.u32 @!p0 $0xF7A, s2;
	p2 =	seq.s32 @!p0 s5, $0x0  }
0x1f: {  	s9 =	smul.u32 $0xF7A, s1;
	s8 =	simm.s32 @!p0 $0x1BF5;
	p2 =	por !p2, p0  }
0x20: {  	[sflag:s8] =	ssyncset.s32 @!p0 $0xFFFFF086;
	s6 =	sadd.s32 @!p0 s3, s7;
	s7 =	simm.s32 @!p0 $0x108  }
0x21: {  	s3 =	sadd.s32 s3, s9;
	s6 =	sadd.s32 @!p0 $0x88, s6;
	s7 =	simm.s32 @p2 $0x1082  }
0x22: {  	[simem:s7], [sflag:s8] =	dma.local @!p0 [hbm:s6], $0xF7A  }
0x23: {  	s9 =	sor.u32 $0xD0000000, s2;
	s6 =	simm.s32 $0x108;
	_ =	swait.ge @!p0 [sflag:s8], $0x0  }
0x24: {  	s3 =	sadd.s32 $0x88, s3;
	s6 =	simm.s32 @!p1 $0x1082;
	[sflag:s4] =	ssyncset.s32 $0xFFFFF086  }
0x25: {  	[simem:s6], [sflag:s4] =	dma.local [hbm:s3], $0xF7A  }
0x26: {  	[smem:$0x3F9F] =	sst s1;
	(tag) =	ssettag s2;
	_ =	strace s9  }
0x27: {  	s1 =	sld [smem:$0x3FAF]  }
0x28: {  	s2 =	sld [smem:$0x3FB0]  }
0x29: {  	s4 =	sld [smem:$0x3FB2]  }
0x2a: {  	p0 =	seq.s32 s5, $0x0;
	s5 =	sld [smem:$0x3FB3]  }
0x2b: {  	s6 =	sld [smem:$0x3FB4]  }
0x2c: {  	s7 =	sld [smem:$0x3FB5]  }
0x2d: {  	s3 =	simm.s32 $0x108;
	s8 =	sld [smem:$0x3FB6]  }
0x2e: {  	s3 =	simm.s32 @!p0 $0x1082;
	s9 =	sld [smem:$0x3FB7]  }
0x2f: {  	lr =	sadd.s32 s0, s3;
	s0 =	sld [smem:$0x3FAE]  }
0x30: {  	s3 =	sld [smem:$0x3FB1]  }
0x31: {  	[smem:$0x3FBA] =	sst s10  }
0x32: {  	s10 =	sld [smem:$0x3FB8];
	_ =	sdelay $0x3  }
0x33: {  	p0 =	seq.s32 s10, $0x1;
	s10 =	sld [smem:$0x3FBA];
	_ =	sdelay $0x3  }
0x34: {  	[smem:$0x3FBA] =	sst s10  }
0x35: {  	s10 =	sld [smem:$0x3FB9];
	_ =	sdelay $0x3  }
0x36: {  	p1 =	seq.s32 s10, $0x1;
	s10 =	sld [smem:$0x3FBA];
	_ =	sdelay $0x3  }
0x37: {  	[smem:$0x3FBA] =	sst s10  }
0x38: {  	s10 =	sld [smem:$0x3FBB]  }
0x39: {  	_ = 	snop;
	(pc) =	sbr.ind lr, $3  }
0x3a: {  	_ = 	snop  }
0x3b: {  	_ = 	snop  }
0x3c: {  	p2 =	seq.s32 s10, $0x1;
	s10 =	sld [smem:$0x3FBA]  }
0x3d: {  	_ =	shalt  }
0x3e: {  	_ =	shalt  }
0x3f: {  	_ =	shalt  }
0x40: {  	_ =	shalt  }
0x41: {  	_ =	shalt  }
0x42: {  	_ =	shalt  }
0x43: {  	_ =	shalt  }
0x44: {  	_ =	shalt  }
0x45: {  	_ =	shalt  }
0x46: {  	_ =	shalt  }
0x47: {  	_ =	shalt  }
0x48: {  	_ =	shalt  }
0x49: {  	_ =	shalt  }
0x4a: {  	_ =	shalt  }
0x4b: {  	_ =	shalt  }
0x4c: {  	_ =	shalt  }
0x4d: {  	_ =	shalt  }
0x4e: {  	_ =	shalt  }
0x4f: {  	_ =	shalt  }
0x50: {  	_ =	shalt  }
0x51: {  	_ =	shalt  }
0x52: {  	_ =	shalt  }
0x53: {  	_ =	shalt  }
0x54: {  	_ =	shalt  }
0x55: {  	_ =	shalt  }
0x56: {  	_ =	shalt  }
0x57: {  	_ =	shalt  }
0x58: {  	_ =	shalt  }
0x59: {  	_ =	shalt  }
0x5a: {  	_ =	shalt  }
0x5b: {  	_ =	shalt  }
0x5c: {  	_ =	shalt  }
0x5d: {  	_ =	shalt  }
0x5e: {  	_ =	shalt  }
0x5f: {  	_ =	shalt  }
0x60: {  	_ =	shalt  }
0x61: {  	_ =	shalt  }
0x62: {  	_ =	shalt  }
0x63: {  	_ =	shalt  }
0x64: {  	_ =	shalt  }
0x65: {  	_ =	shalt  }
0x66: {  	_ =	shalt  }
0x67: {  	_ =	shalt  }
0x68: {  	_ =	shalt  }
0x69: {  	_ =	shalt  }
0x6a: {  	_ =	shalt  }
0x6b: {  	_ =	shalt  }
0x6c: {  	_ =	shalt  }
0x6d: {  	_ =	shalt  }
0x6e: {  	_ =	shalt  }
0x6f: {  	_ =	shalt  }
0x70: {  	_ =	shalt  }
0x71: {  	_ =	shalt  }
0x72: {  	_ =	shalt  }
0x73: {  	_ =	shalt  }
0x74: {  	_ =	shalt  }
0x75: {  	_ =	shalt  }
0x76: {  	_ =	shalt  }
0x77: {  	_ =	shalt  }
0x78: {  	_ =	shalt  }
0x79: {  	_ =	shalt  }
0x7a: {  	_ =	shalt  }
0x7b: {  	_ =	shalt  }
0x7c: {  	_ =	shalt  }
0x7d: {  	_ =	shalt  }
0x7e: {  	_ =	shalt  }
0x7f: {  	_ =	shalt  }
0x80: {  	_ =	shalt  }
0x81: {  	_ =	shalt  }
0x82: {  	_ =	shalt  }
0x83: {  	_ =	shalt  }
0x84: {  	_ =	shalt  }
0x85: {  	_ =	shalt  }
0x86: {  	_ =	shalt  }
0x87: {  	_ =	shalt  }
.Lfunc_end0:
.L_simem_size_0:
called_computation.1_lowered:
.L_overlay_start_0:
0x88: {  	s2 =	sld [smem:$0x3FD9]  }
0x89: {  	s3 =	sld [smem:$0x3FFE];
	_ =	sdelay $0x1  }
0x8a: {  	s1 =	srdreg.scid  }
0x8b: {  	s0 =	sand.u32 $0x1, s1  }
0x8c: {  	s17 =	sshll.u32 s0, $0xA;
	s2 =	sadd.s32 s3, s2  }
0x8d: {  	s2 =	sadd.s32 s2, s17  }
0x8e: {  	[smem:$0x3FC6] =	sst s2  }
0x8f: {  	_ = 	snop  }
0x90: {  	s2 =	sld [smem:$0x3FD0];
	(tm) =	ssettm $0x1  }
0x91: {  	s18 =	sld [smem:$0x3FFB];
	_ =	sdelay $0x3  }
0x92: {  	_ =	strace s18  }
0x93: {  	s3 =	sld [smem:$0x3FFC];
	_ =	sdelay $0x3  }
0x94: {  	_ =	strace s3  }
0x95: {  	s3 =	sld [smem:$0x3FFD];
	_ =	sdelay $0x3  }
0x96: {  	_ =	strace s3  }
0x97: {  	_ =	strace $0x8FFFFFFF  }
0x98: {  	s19 =	sld [smem:$0x3FDB];
	_ =	sdelay $0x1  }
0x99: {  	s4 =	simm.s32 $_scs_section_size  }
0x9a: {  	s5 =	simm.s32 $_size__tile_overlayer_lowered;
	s6 =	simm.s32 $_tile_overlayer_lowered  }
0x9b: {  	s22 =	simm.s32 $0x1BFF;
	s21 =	sshll.u32 s6, $0x1;
	s3 =	sadd.s32 s4, s19  }
0x9c: {  	s7 =	simm.s32 $0x0;
	s20 =	sshll.u32 s5, $0x1;
	s5 =	sadd.s32 s21, s3  }
0x9d: {  	[timem:s7], [sflag:s22] =	dma.local [hbm:s5], s20  }
0x9e: {  	_ =	swait.ge [sflag:s22], s20  }
0x9f: {  	s4 =	ssub.s32 $0x0, s20;
	[sflag:s22] =	ssyncset.done $0x0  }
0xa0: {  	[sflag:s22] =	ssyncadd.s32 s4;
	_ =	sdelay $0x1  }
0xa1: {  	s23 =	simm.s32 $0x1B8B  }
0xa2: {  	_ =	swait.ge [sflag:s23], $0x1  }
0xa3: {  	[sflag:s23] =	ssyncset.done $0x0  }
0xa4: {  	s25 =	simm.s32 $0x1B8E;
	s24 =	sld [smem:$0x3FFE];
	[sflag:s23] =	ssyncadd.s32 $0xFFFFFFFF  }
0xa5: {  	s26 =	simm.s32 $execute0_lowered;
	[smem:$0x3FD2] =	sst s25  }
0xa6: {  	s5 =	sshll.u32 s26, $0x1;
	_ =	strace $0x80000046;
	[dreg:$0x1] =	wrdreg $0xFFFFFFFF  }
0xa7: {  	s28 =	simm.s32 $_size_execute0_lowered;
	s3 =	sadd.s32 s3, s5;
	[dreg:$0x0] =	wrdreg $0x0  }
0xa8: {  	s5 =	sshll.u32 s28, $0x1;
	[dreg:$0x2] =	wrdreg s3  }
0xa9: {  	[dreg:$0x3] =	wrdreg s5  }
0xaa: {  	[dreg:$0x4] =	wrdreg $0xC0  }
0xab: {  	_ =	task [dreg:s7], $0x5FFFF  }
0xac: {  	[dreg:$0x1] =	wrdreg $0xFFFFFFFF  }
0xad: {  	[dreg:$0x0] =	wrdreg $0x60  }
0xae: {  	[dreg:$0x2] =	wrdreg s24  }
0xaf: {  	[dreg:$0x3] =	wrdreg s2  }
0xb0: {  	[dreg:$0x4] =	wrdreg $0x9  }
0xb1: {  	_ =	task.clear_ibuf [dreg:s7], $0x5FFFF;
	_ =	strace $0x90000046  }
0xb2: {  	s29 =	simm.s32 $0x9;
	_ =	strace $0x80000048  }
0xb3: {  	_ =	swait.ge [sflag:s29], $0x1  }
0xb4: {  	[sflag:s29] =	ssyncadd.s32 $0xFFFFFFFF  }
0xb5: {  	_ =	strace $0x90000048  }
0xb6: {  	_ =	sfence  }
0xb7: {  	s30 =	sld [smem:$0x0];
	_ =	sdelay $0x2  }
0xb8: {  	s31 =	sshll.u32 s1, $0xD;
	s1 =	sshrl.u32 s1, $0x2  }
0xb9: {  	s3 =	sand.u32 $0x4000, s31;
	s1 =	sadd.s32 s1, s30  }
0xba: {  	s0 =	sor.u32 s3, s0;
	s1 =	sshll.u32 s1, $0x11  }
0xbb: {  	s0 =	sor.u32 s1, s0  }
0xbc: {  	s0 =	sadd.s32 $0x8F2B, s0  }
0xbd: {  	[sflag:s0] =	ssyncadd.remote.s32 $0x1  }
0xbe: {  	_ =	sfence.sel $0xFFFF  }
0xbf: {  	[dreg:$0x0] =	wrdreg $0xFFFFFFFF;
	(pc) =	sbr.abs _section_cstart, $3  }
0xc0: {  	[dreg:$0x1] =	wrdreg $0xFFFFFFFF  }
0xc1: {  	_ =	task.clear_ibuf [dreg:s7], $0x2FFFF;
	_ =	strace $0x9FFFFFFF  }
0xc2: {  	(tm) =	ssettm $0x7FFFFFFF  }
0xc3: {  	_ =	shalt  }
tec
execute0_lowered:
.L_overlay_start_1:
0x0: {  	(tag) =	ssettag $0x1  }
0x1: {  	s5 =	rddreg [dreg:$0x0]  }
0x2: {  	s1 =	rddreg [dreg:$0x1]  }
0x3: {  	s0 =	rddreg [dreg:$0x2]  }
0x4: {  	s3 =	simm.s32 $0x0;
	s4 =	srdreg.scid;
	s2 =	stileid.u32  }
0x5: {  	s10 =	simm.s32 $0x80;
	s11 =	simm.s32 $0x400;
	s12 =	simm.s32 $0x2400  }
0x6: {  	s13 =	simm.s32 $0x100;
	s14 =	simm.s32 $0x4400;
	s15 =	simm.s32 $0x180  }
0x7: {  	s16 =	simm.s32 $0x6400;
	s17 =	simm.s32 $0x1;
	s18 =	simm.s32 $0x200  }
0x8: {  	s19 =	simm.s32 $0x280;
	s20 =	simm.s32 $0x300;
	s21 =	simm.s32 $0x380  }
0x9: {  	s22 =	simm.s32 $0x0;
	[smem:$0x7FF] =	sst s3;
	s6 =	sand.u32 $0x1, s4  }
0xa: {  	s4 =	sadd.s32 $0xA00, s5;
	s8 =	sshll.u32 s2, $0x1;
	s7 =	ssub.s32 $0x2, s6  }
0xb: {  	s5 =	sadd.s32 $0xF42E00, s5;
	s6 =	sor.u32 s6, s8;
	s9 =	sshrl.u32 s7, $0x1  }
0xc: {  	_ =	strace $0x80000047;
	s6 =	smul.u32 $0x6400, s6;
	s31 =	ssub.s32 s7, s9  }
0xd: {  	s7 =	sadd.s32 $0x1000, s1;
	s9 =	simm.s32 $0x2;
	s8 =	smax.u32 s31, $0x1  }
.LBB2_1:
0xe: {  	s23 =	simm.s32 $0x0  }
.LBB2_2:
0xf: {  	s24 =	sshll.u32 s23, $0xA  }
0x10: {  	s24 =	sadd.s32 s6, s24  }
0x11: {  	s25 =	sshrl.u32 s24, $0x3  }
0x12: {  	s25 =	sadd.s32 s4, s25  }
0x13: {  	[tilespmem:s3], [sflag:$0x2] =	stream.linear.gather [hbm4b:s25+s3], $0x400, $0x38;
	[tilespmem:$0x8400] =	vst v63  }
0x14: {  	_ =	swait.ge [sflag:s9], $0x400  }
0x15: {  	[sflag:s9] =	ssyncset.done $0x0  }
0x16: {  	[sflag:s9] =	ssyncadd.s32 $0xFFFFFC00  }
0x17: {  	[tilespmem:s11], [sflag:$0x1] =	stream.indirect.gather [hbm4b:s5+s10], $0x40, s3, s10, $0xb8;
	[tilespmem:$0x8400] =	vst v63  }
0x18: {  	_ = 	snop  }
0x19: {  	[tilespmem:s12], [sflag:$0x1] =	stream.indirect.gather [hbm4b:s5+s10], $0x40, s10, s10, $0xb8;
	[tilespmem:$0x8400] =	vst v63  }
0x1a: {  	_ = 	snop  }
0x1b: {  	[tilespmem:s14], [sflag:$0x1] =	stream.indirect.gather [hbm4b:s5+s10], $0x40, s13, s10, $0xb8;
	[tilespmem:$0x8400] =	vst v63  }
0x1c: {  	_ = 	snop  }
0x1d: {  	[tilespmem:s16], [sflag:$0x1] =	stream.indirect.gather [hbm4b:s5+s10], $0x40, s15, s10, $0xb8;
	[tilespmem:$0x8400] =	vst v63  }
0x1e: {  	_ =	swait.ge [sflag:s17], $0x2000  }
0x1f: {  	[sflag:s17] =	ssyncset.done $0x0  }
0x20: {  	[sflag:s17] =	ssyncadd.s32 $0xFFFFE000  }
0x21: {  	_ =	swait.ge [sflag:s17], $0x2000  }
0x22: {  	[sflag:s17] =	ssyncset.done $0x0  }
0x23: {  	[sflag:s17] =	ssyncadd.s32 $0xFFFFE000  }
0x24: {  	_ =	swait.ge [sflag:s17], $0x2000  }
0x25: {  	[sflag:s17] =	ssyncset.done $0x0  }
0x26: {  	[sflag:s17] =	ssyncadd.s32 $0xFFFFE000  }
0x27: {  	_ =	swait.ge [sflag:s17], $0x2000  }
0x28: {  	[sflag:s17] =	ssyncset.done $0x0  }
0x29: {  	s25 =	simm.s32 $0x440;
	[sflag:s17] =	ssyncadd.s32 $0xFFFFE000  }
0x2a: {  	v1 =	vld [tilespmem:s25+$0xFFFFFFC0];
	_ =	sdelay $0x1  }
0x2b: {  	v4 =	vld [tilespmem:s25+$0xFFFFFFD0]  }
0x2c: {  	v6 =	vld [tilespmem:s25+$0xFFFFFFE0]  }
0x2d: {  	v2 =	vld [tilespmem:s25+$0x0]  }
0x2e: {  	v0 =	vld [tilespmem:s25+$0x10];
	v5 =	vmul.f32 $8.000000000e+00, v1  }
0x2f: {  	v3 =	vld [tilespmem:s25+$0x20]  }
0x30: {  	v1 =	vld [tilespmem:s25+$0x30];
	[tilespmem:s25+$0xFFFFFFC0] =	vst v5;
	v5 =	vmul.f32 $8.000000000e+00, v4  }
0x31: {  	s26 =	simm.s32 $0x0;
	s28 =	simm.s32 $0x4C0;
	v6 =	vmul.f32 $8.000000000e+00, v6;
	v4 =	vld [tilespmem:s25+$0xFFFFFFF0]  }
.LBB2_3:
0x32: {  	v7 =	vld [tilespmem:s28+$0xFFFFFFC0];
	[tilespmem:s25+$0xFFFFFFD0] =	vst v5;
	v2 =	vmul.f32 $8.000000000e+00, v2  }
0x33: {  	s26 =	sadd.s32 $0x2, s26;
	v5 =	vld [tilespmem:s28+$0xFFFFFFD0];
	[tilespmem:s25+$0xFFFFFFE0] =	vst v6;
	v0 =	vmul.f32 $8.000000000e+00, v0  }
0x34: {  	p0 =	slt.u32 s26, $0x1FE;
	v6 =	vld [tilespmem:s28+$0xFFFFFFE0];
	[tilespmem:s25+$0x0] =	vst v2;
	v3 =	vmul.f32 $8.000000000e+00, v3  }
.Ltmp0:
0x35: {  	v2 =	vld [tilespmem:s28+$0x0];
	[tilespmem:s25+$0x10] =	vst v0;
	v1 =	vmul.f32 $8.000000000e+00, v1;
	(pc) =	sbr.rel @p0 .LBB2_3-.Ltmp0, $4  }
0x36: {  	v0 =	vld [tilespmem:s28+$0x10];
	v4 =	vmul.f32 $8.000000000e+00, v4;
	[tilespmem:s25+$0x20] =	vst v3  }
0x37: {  	v7 =	vmul.f32 $8.000000000e+00, v7;
	v3 =	vld [tilespmem:s28+$0x20];
	[tilespmem:s25+$0x30] =	vst v1  }
0x38: {  	v5 =	vmul.f32 $8.000000000e+00, v5;
	v1 =	vld [tilespmem:s28+$0x30];
	[tilespmem:s25+$0xFFFFFFF0] =	vst v4;
	s25 =	smov.u32 s28  }
0x39: {  	s28 =	sadd.s32 $0x80, s28;
	[tilespmem:s25+$0xFFFFFFC0] =	vst v7;
	v6 =	vmul.f32 $8.000000000e+00, v6;
	v4 =	vld [tilespmem:s25+$0xFFFFFFF0]  }
0x3a: {  	[tilespmem:s25+$0xFFFFFFD0] =	vst v5;
	v2 =	vmul.f32 $8.000000000e+00, v2  }
0x3b: {  	[tilespmem:s25+$0xFFFFFFE0] =	vst v6;
	v0 =	vmul.f32 $8.000000000e+00, v0  }
0x3c: {  	[tilespmem:s25+$0x0] =	vst v2;
	v2 =	vmul.f32 $8.000000000e+00, v3  }
0x3d: {  	[tilespmem:s25+$0x10] =	vst v0;
	v0 =	vmul.f32 $8.000000000e+00, v1  }
0x3e: {  	v1 =	vmul.f32 $8.000000000e+00, v4;
	[tilespmem:s25+$0x20] =	vst v2  }
0x3f: {  	s24 =	sshll.u32 s24, $0x3;
	[tilespmem:s25+$0x30] =	vst v0  }
0x40: {  	s31 =	sadd.s32 s1, s24;
	[tilespmem:s25+$0xFFFFFFF0] =	vst v1  }
0x41: {  	[hbm4b:s31+s3] =	stream.linear.scatter [tilespmem:s11], [sflag:$0x2], $0x8000, $0x38;
	[tilespmem:$0x8400] =	vst v63  }
0x42: {  	_ =	swait.ge [sflag:s9], $0x8000  }
0x43: {  	[sflag:s9] =	ssyncset.done $0x0  }
0x44: {  	[sflag:s9] =	ssyncadd.s32 $0xFFFF8000  }
0x45: {  	[tilespmem:s11], [sflag:$0x1] =	stream.indirect.gather [hbm4b:s5+s10], $0x40, s18, s10, $0xb8;
	[tilespmem:$0x8400] =	vst v63  }
0x46: {  	_ = 	snop  }
0x47: {  	[tilespmem:s12], [sflag:$0x1] =	stream.indirect.gather [hbm4b:s5+s10], $0x40, s19, s10, $0xb8;
	[tilespmem:$0x8400] =	vst v63  }
0x48: {  	_ = 	snop  }
0x49: {  	[tilespmem:s14], [sflag:$0x1] =	stream.indirect.gather [hbm4b:s5+s10], $0x40, s20, s10, $0xb8;
	[tilespmem:$0x8400] =	vst v63  }
0x4a: {  	_ = 	snop  }
0x4b: {  	[tilespmem:s16], [sflag:$0x1] =	stream.indirect.gather [hbm4b:s5+s10], $0x40, s21, s10, $0xb8;
	[tilespmem:$0x8400] =	vst v63  }
0x4c: {  	_ =	swait.ge [sflag:s17], $0x2000  }
0x4d: {  	[sflag:s17] =	ssyncset.done $0x0  }
0x4e: {  	[sflag:s17] =	ssyncadd.s32 $0xFFFFE000  }
0x4f: {  	_ =	swait.ge [sflag:s17], $0x2000  }
0x50: {  	[sflag:s17] =	ssyncset.done $0x0  }
0x51: {  	[sflag:s17] =	ssyncadd.s32 $0xFFFFE000  }
0x52: {  	_ =	swait.ge [sflag:s17], $0x2000  }
0x53: {  	[sflag:s17] =	ssyncset.done $0x0  }
0x54: {  	[sflag:s17] =	ssyncadd.s32 $0xFFFFE000  }
0x55: {  	_ =	swait.ge [sflag:s17], $0x2000  }
0x56: {  	[sflag:s17] =	ssyncset.done $0x0  }
0x57: {  	s25 =	simm.s32 $0x440;
	[sflag:s17] =	ssyncadd.s32 $0xFFFFE000  }
0x58: {  	v1 =	vld [tilespmem:s25+$0xFFFFFFC0];
	_ =	sdelay $0x1  }
0x59: {  	v4 =	vld [tilespmem:s25+$0xFFFFFFD0]  }
0x5a: {  	v6 =	vld [tilespmem:s25+$0xFFFFFFE0]  }
0x5b: {  	v2 =	vld [tilespmem:s25+$0x0]  }
0x5c: {  	v0 =	vld [tilespmem:s25+$0x10];
	v5 =	vmul.f32 $8.000000000e+00, v1  }
0x5d: {  	v3 =	vld [tilespmem:s25+$0x20]  }
0x5e: {  	v1 =	vld [tilespmem:s25+$0x30];
	[tilespmem:s25+$0xFFFFFFC0] =	vst v5;
	v5 =	vmul.f32 $8.000000000e+00, v4  }
0x5f: {  	s26 =	simm.s32 $0x0;
	s28 =	simm.s32 $0x4C0;
	v6 =	vmul.f32 $8.000000000e+00, v6;
	v4 =	vld [tilespmem:s25+$0xFFFFFFF0]  }
.LBB2_5:
0x60: {  	v7 =	vld [tilespmem:s28+$0xFFFFFFC0];
	[tilespmem:s25+$0xFFFFFFD0] =	vst v5;
	v2 =	vmul.f32 $8.000000000e+00, v2  }
0x61: {  	s26 =	sadd.s32 $0x2, s26;
	v5 =	vld [tilespmem:s28+$0xFFFFFFD0];
	[tilespmem:s25+$0xFFFFFFE0] =	vst v6;
	v0 =	vmul.f32 $8.000000000e+00, v0  }
0x62: {  	p0 =	slt.u32 s26, $0x1FE;
	v6 =	vld [tilespmem:s28+$0xFFFFFFE0];
	[tilespmem:s25+$0x0] =	vst v2;
	v3 =	vmul.f32 $8.000000000e+00, v3  }
.Ltmp1:
0x63: {  	v2 =	vld [tilespmem:s28+$0x0];
	[tilespmem:s25+$0x10] =	vst v0;
	v1 =	vmul.f32 $8.000000000e+00, v1;
	(pc) =	sbr.rel @p0 .LBB2_5-.Ltmp1, $4  }
0x64: {  	v0 =	vld [tilespmem:s28+$0x10];
	v4 =	vmul.f32 $8.000000000e+00, v4;
	[tilespmem:s25+$0x20] =	vst v3  }
0x65: {  	v7 =	vmul.f32 $8.000000000e+00, v7;
	v3 =	vld [tilespmem:s28+$0x20];
	[tilespmem:s25+$0x30] =	vst v1  }
0x66: {  	v5 =	vmul.f32 $8.000000000e+00, v5;
	v1 =	vld [tilespmem:s28+$0x30];
	[tilespmem:s25+$0xFFFFFFF0] =	vst v4;
	s25 =	smov.u32 s28  }
0x67: {  	s28 =	sadd.s32 $0x80, s28;
	[tilespmem:s25+$0xFFFFFFC0] =	vst v7;
	v6 =	vmul.f32 $8.000000000e+00, v6;
	v4 =	vld [tilespmem:s25+$0xFFFFFFF0]  }
0x68: {  	[tilespmem:s25+$0xFFFFFFD0] =	vst v5;
	v2 =	vmul.f32 $8.000000000e+00, v2  }
0x69: {  	[tilespmem:s25+$0xFFFFFFE0] =	vst v6;
	v0 =	vmul.f32 $8.000000000e+00, v0  }
0x6a: {  	[tilespmem:s25+$0x0] =	vst v2;
	v61 =	vmul.f32 $8.000000000e+00, v3  }
0x6b: {  	[tilespmem:s25+$0x10] =	vst v0;
	v62 =	vmul.f32 $8.000000000e+00, v1  }
0x6c: {  	s23 =	sadd.s32 $0x1, s23;
	v63 =	vmul.f32 $8.000000000e+00, v4;
	[tilespmem:s25+$0x20] =	vst v61  }
0x6d: {  	p0 =	sne.s32 s23, $0x19;
	[tilespmem:s25+$0x30] =	vst v62  }
.Ltmp2:
0x6e: {  	s24 =	sadd.s32 s24, s7;
	[tilespmem:s25+$0xFFFFFFF0] =	vst v63;
	(pc) =	sbr.rel @p0 .LBB2_2-.Ltmp2, $4  }
0x6f: {  	[hbm4b:s24+s3] =	stream.linear.scatter [tilespmem:s11], [sflag:$0x2], $0x8000, $0x38;
	[tilespmem:$0x8400] =	vst v63  }
0x70: {  	_ =	swait.ge [sflag:s9], $0x8000  }
0x71: {  	[sflag:s9] =	ssyncset.done $0x0  }
0x72: {  	[sflag:s9] =	ssyncadd.s32 $0xFFFF8000  }
0x73: {  	s22 =	sadd.s32 $0x1, s22  }
0x74: {  	p0 =	sne.s32 s22, s8  }
.Ltmp3:
0x75: {  	_ = 	snop;
	(pc) =	sbr.rel @p0 .LBB2_1-.Ltmp3, $1  }
0x76: {  	_ =	sdelay $0x3  }
0x77: {  	_ =	sfence.sel $0x180000  }
0x78: {  	[bflag:$0x0] =	sbarrier.arrive $0xFFFF  }
0x79: {  	p0 =	sne.s32 s2, $0x0;
	_ =	strace $0x90000047  }
0x7a: {  	s0 =	sadd.s32 @!p0 $0x100000, s0;
	[bflag:$0x2] =	sbarrier.arrive $0xFFFF  }
0x7b: {  	[sflag:s0] =	ssyncadd.tile.s32 @!p0 $0x1;
	_ =	shalt  }
.Lfunc_end2:
_tile_overlayer_lowered:
.L_overlay_start_2:
0x7c: {  	(tag) =	ssettag $0x2  }
0x7d: {  	s0 =	rddreg [dreg:$0x0];
	s2 =	stileid.u32  }
0x7e: {  	s1 =	rddreg [dreg:$0x1];
	p0 =	sne.s32 s2, $0x0  }
0x7f: {  	s3 =	rddreg [dreg:$0x2];
	[bflag:$0x3] =	sbarrier.arrive $0xFFFF;
	s2 =	simm.s32 @!p0 $0x1C02  }
0x80: {  	[timem:s3], [sflag:s2] =	dma.local @!p0 [hbm:s0], s1  }
0x81: {  	s0 =	simm.s32 @!p0 $0x2  }
0x82: {  	_ =	swait.ge @!p0 [sflag:s0], s1  }
0x83: {  	s1 =	ssub.s32 @!p0 $0x0, s1;
	[sflag:s0] =	ssyncset.done @!p0 $0x0  }
0x84: {  	[sflag:s0] =	ssyncadd.s32 @!p0 s1  }
0x85: {  	[bflag:$0x3] =	sbarrier.arrive $0xFFFF  }
0x86: {  	_ =	shalt  }

// kernel: sparse-core-data-format-call.cloned.1.call-start
scs
called_computation_lowered:
.L_overlay_start_0:
0x0: {  	s2 =	sld [smem:$0x3FD9]  }
0x1: {  	s3 =	sld [smem:$0x3FFE];
	_ =	sdelay $0x1  }
0x2: {  	s1 =	srdreg.scid  }
0x3: {  	s0 =	sand.u32 $0x1, s1  }
0x4: {  	s18 =	sshll.u32 s0, $0xA;
	s2 =	sadd.s32 s3, s2  }
0x5: {  	s2 =	sadd.s32 s2, s18  }
0x6: {  	[smem:$0x3FC6] =	sst s2  }
0x7: {  	_ = 	snop  }
0x8: {  	s2 =	sld [smem:$0x3FD0];
	(tm) =	ssettm $0x1  }
0x9: {  	s19 =	sld [smem:$0x3FFB];
	_ =	sdelay $0x3  }
0xa: {  	_ =	strace s19  }
0xb: {  	s3 =	sld [smem:$0x3FFC];
	_ =	sdelay $0x3  }
0xc: {  	_ =	strace s3  }
0xd: {  	s3 =	sld [smem:$0x3FFD];
	_ =	sdelay $0x3  }
0xe: {  	_ =	strace s3  }
0xf: {  	_ =	strace $0x8FFFFFFF  }
0x10: {  	s20 =	sld [smem:$0x3FDB];
	_ =	sdelay $0x1  }
0x11: {  	s4 =	simm.s32 $_scs_section_size  }
0x12: {  	s5 =	simm.s32 $_size__tile_overlayer_lowered;
	s6 =	simm.s32 $_tile_overlayer_lowered  }
0x13: {  	s23 =	simm.s32 $0x1BFF;
	s22 =	sshll.u32 s6, $0x1;
	s3 =	sadd.s32 s4, s20  }
0x14: {  	s7 =	simm.s32 $0x0;
	s21 =	sshll.u32 s5, $0x1;
	s5 =	sadd.s32 s22, s3  }
0x15: {  	[timem:s7], [sflag:s23] =	dma.local [hbm:s5], s21  }
0x16: {  	_ =	swait.ge [sflag:s23], s21  }
0x17: {  	s4 =	ssub.s32 $0x0, s21;
	[sflag:s23] =	ssyncset.done $0x0  }
0x18: {  	[sflag:s23] =	ssyncadd.s32 s4;
	_ =	sdelay $0x1  }
0x19: {  	s24 =	simm.s32 $0x1B8B  }
0x1a: {  	_ =	swait.ge [sflag:s24], $0x1  }
0x1b: {  	[sflag:s24] =	ssyncset.done $0x0  }
0x1c: {  	s26 =	simm.s32 $0x1B8E;
	s25 =	sld [smem:$0x3FFE];
	[sflag:s24] =	ssyncadd.s32 $0xFFFFFFFF  }
0x1d: {  	s27 =	simm.s32 $execute0_lowered;
	[smem:$0x3FD2] =	sst s26  }
0x1e: {  	s5 =	sshll.u32 s27, $0x1;
	_ =	strace $0x80000049;
	[dreg:$0x1] =	wrdreg $0xFFFFFFFF  }
0x1f: {  	s28 =	simm.s32 $_size_execute0_lowered;
	s3 =	sadd.s32 s3, s5;
	[dreg:$0x0] =	wrdreg $0x0  }
0x20: {  	s5 =	sshll.u32 s28, $0x1;
	[dreg:$0x2] =	wrdreg s3  }
0x21: {  	[dreg:$0x3] =	wrdreg s5  }
0x22: {  	[dreg:$0x4] =	wrdreg $0xC0  }
0x23: {  	_ =	task [dreg:s7], $0x5FFFF  }
0x24: {  	[dreg:$0x1] =	wrdreg $0xFFFFFFFF  }
0x25: {  	[dreg:$0x0] =	wrdreg $0x60  }
0x26: {  	[dreg:$0x2] =	wrdreg s25  }
0x27: {  	[dreg:$0x3] =	wrdreg s2  }
0x28: {  	[dreg:$0x4] =	wrdreg $0x9  }
0x29: {  	_ =	task.clear_ibuf [dreg:s7], $0x5FFFF;
	_ =	strace $0x90000049  }
0x2a: {  	s29 =	simm.s32 $0x9;
	_ =	strace $0x8000004B  }
0x2b: {  	_ =	swait.ge [sflag:s29], $0x1  }
0x2c: {  	[sflag:s29] =	ssyncadd.s32 $0xFFFFFFFF  }
0x2d: {  	_ =	strace $0x9000004B  }
0x2e: {  	_ =	sfence  }
0x2f: {  	s30 =	sld [smem:$0x0];
	_ =	sdelay $0x2  }
0x30: {  	s31 =	sshll.u32 s1, $0xD;
	s1 =	sshrl.u32 s1, $0x2  }
0x31: {  	s3 =	sand.u32 $0x4000, s31;
	s1 =	sadd.s32 s1, s30  }
0x32: {  	s0 =	sor.u32 s3, s0;
	s1 =	sshll.u32 s1, $0x11  }
0x33: {  	s0 =	sor.u32 s1, s0  }
0x34: {  	s0 =	sadd.s32 $0x8F2B, s0  }
0x35: {  	[sflag:s0] =	ssyncadd.remote.s32 $0x1  }
0x36: {  	_ =	sfence.sel $0xFFFF  }
0x37: {  	[dreg:$0x0] =	wrdreg $0xFFFFFFFF;
	(pc) =	sbr.abs _section_cstart, $3  }
0x38: {  	[dreg:$0x1] =	wrdreg $0xFFFFFFFF  }
0x39: {  	_ =	task.clear_ibuf [dreg:s7], $0x2FFFF;
	_ =	strace $0x9FFFFFFF  }
0x3a: {  	(tm) =	ssettm $0x7FFFFFFF  }
0x3b: {  	_ =	shalt  }
tec
execute0_lowered:
.L_overlay_start_1:
0x0: {  	(tag) =	ssettag $0x1  }
0x1: {  	s0 =	srdreg.scid  }
0x2: {  	s1 =	sshll.u32 s0, $0x4  }
0x3: {  	s0 =	stileid.u32;
	s1 =	sand.u32 $0x10, s1  }
0x4: {  	s1 =	sor.u32 s0, s1  }
0x5: {  	s6 =	rddreg [dreg:$0x0];
	s4 =	simm.s32 $0x1;
	s2 =	sshll.u32 s1, $0x7  }
0x6: {  	s7 =	simm.s32 $0x2;
	s12 =	simm.s32 $0x0;
	s1 =	ssub.s32 $0x1000, s2  }
0x7: {  	s8 =	simm.s32 $0x8000;
	s13 =	simm.s32 $0x0;
	s3 =	sand.u32 $0xF80, s1  }
0x8: {  	s9 =	simm.s32 $0x0;
	s5 =	sshrl.u32 s1, $0xC;
	p0 =	sne.s32 s3, $0x0  }
.Ltmp0:
0x9: {  	s1 =	rddreg [dreg:$0x2];
	s4 =	simm.s32 @!p0 $0x0;
	(pc) =	sbr.rel .LBB1_1-.Ltmp0, $4  }
0xa: {  	s11 =	simm.s32 $0x0;
	s3 =	rddreg [dreg:$0x1];
	s5 =	sadd.s32 s4, s5  }
0xb: {  	_ =	strace $0x8000004A;
	s4 =	simm.s32 $0x1;
	s5 =	smul.u32 $0xC8, s5  }
0xc: {  	s6 =	sadd.s32 $0xA00, s6;
	s10 =	smov.u32 s2;
	[sflag:s4] =	ssyncpa.u1 $0x0  }
0xd: {  	p0 =	por $0x0, $0x0;
	[sflag:s7] =	ssyncpa.u1 $0x0;
	s7 =	sor.u32 $0x1, s5  }
.LBB1_4:
0xe: {  	s16 =	sshll.u32 s13, $0x3;
	s17 =	sand.u32 $0x78, s13  }
0xf: {  	s30 =	sand.u32 $0x7E00, s13;
	s12 =	sshll.u32 s12, $0xF;
	s16 =	sand.u32 $0xC00, s16  }
0x10: {  	[tilespmem:s15+$0x810 ss:$0x81] =	vst.msk $0xffff, v2;
	s31 =	sand.u32 $0x7, s13;
	s16 =	sor.u32 s17, s16;
	s17 =	sadd.s32 s3, s30  }
0x11: {  	[tilespmem:s15+$0x1020 ss:$0x81] =	vst.msk $0xffff, v0;
	s13 =	sshll.u32 s31, $0x12;
	s12 =	sadd.s32 s12, s17;
	s16 =	sshrl.u32 s16, $0x3  }
0x12: {  	[tilespmem:s15+$0x0 ss:$0x81] =	vst.msk $0xffff, v1;
	s13 =	sor.u32 $0x400, s13;
	s12 =	sadd.s32 s16, s12  }
0x13: {  	[hbm4b:s12+s13] =	stream.strided.scatter [tilespmem:s14], [sflag:$0x2], $0x2000, s8, s13, $0x20;
	[tilespmem:$0x8080] =	vst v63  }
.LBB1_5:
0x14: {  	s14 =	sadd.s32 $0x1, s9  }
0x15: {  	s12 =	sadd.s32 $0x1000, s10;
	s16 =	smov.u32 s10;
	p2 =	sgt.s32 s14, $0xC7  }
0x16: {  	s16 =	smov.u32 @p2 s12  }
0x17: {  	s14 =	simm.s32 @p2 $0x0;
	p2 =	sgt.s32 s16, $0xFFF  }
0x18: {  	s16 =	smov.u32 @p2 s2;
	p2 =	sne.s32 s11, s7  }
.Ltmp1:
0x19: {  	p1 =	slt.u32 s11, $0x2;
	(pc) =	sbr.rel @!p2 .LBB1_6-.Ltmp1, $4  }
0x1a: {  	s15 =	simm.s32 @!p1 $0x2  }
0x1b: {  	s13 =	smov.u32 s10;
	p0 =	por !p0, !p0;
	_ =	swait.ge @!p1 [sflag:s15], $0x2000  }
0x1c: {  	s12 =	smov.u32 s9;
	[sflag:s15] =	ssyncset.done @!p1 $0x0;
	s9 =	smov.u32 s14  }
0x1d: {  	s11 =	sadd.s32 $0x1, s11;
	[sflag:s15] =	ssyncadd.s32 @!p1 $0xFFFFE000;
	s10 =	smov.u32 s16  }
.LBB1_1:
0x1e: {  	p1 =	sge.u32 s11, s5  }
0x1f: {  	s14 =	sand.u32 @!p1 $0x1FFFFFF, s9  }
0x20: {  	s15 =	smulhi.u32 @!p1 $0x147AE15, s14;
	_ =	sdelay $0x1  }
0x21: {  	s15 =	smul.u32 @!p1 $0xC8, s15  }
0x22: {  	s16 =	sxor.u32 @!p1 $0xFFFFFFFF, s11;
	s17 =	smul.u32 @!p1 $0xC80, s10  }
0x23: {  	s31 =	sadd.s32 $0xFFFFFFFF, s11;
	s16 =	sshll.u32 @!p1 s16, $0xD;
	s14 =	ssub.s32 @!p1 s14, s15  }
0x24: {  	s15 =	sand.u32 @!p1 $0x2000, s16;
	s16 =	sadd.s32 @!p1 s6, s17;
	s14 =	sshll.u32 @!p1 s14, $0x4  }
0x25: {  	s17 =	simm.s32 @!p1 $0x6400;
	s14 =	sadd.s32 @!p1 s14, s16;
	s16 =	simm.s32 @!p1 $0x40  }
0x26: {  	[tilespmem:s15], [sflag:$0x1] =	stream.strided.gather @!p1 [hbm4b:s14+s16], $0x2000, s17, s16, $0x38;
	[tilespmem:$0x8080] =	vst v63  }
0x27: {  	p1 =	sge.u32 s31, s5  }
.Ltmp2:
0x28: {  	_ = 	snop;
	(pc) =	sbr.rel @p1 .LBB1_5-.Ltmp2, $1  }
0x29: {  	_ =	sdelay $0x3  }
0x2a: {  	s14 =	simm.s32 $0x1  }
0x2b: {  	_ =	swait.ge [sflag:s4], $0x2000;
	s14 =	simm.s32 @!p0 $0x0  }
0x2c: {  	[sflag:s4] =	ssyncset.done $0x0;
	s15 =	sshll.u32 s14, $0xD  }
0x2d: {  	[sflag:s4] =	ssyncadd.s32 $0xFFFFE000;
	s18 =	sor.u32 $0x20, s15  }
0x2e: {  	s14 =	smul.u32 $0x8100, s14;
	v3 =	vld [tilespmem:s18+$0x10]  }
0x2f: {  	s30 =	sand.u32 $0x1, s11;
	v2 =	vld [tilespmem:s18+$0xFFFFFFF0]  }
0x30: {  	s15 =	smul.u32 $0x8100, s30;
	s14 =	sshrl.u32 s14, $0x2;
	v0 =	vld [tilespmem:s18+$0x0]  }
0x31: {  	v1 =	vld [tilespmem:s18+$0xFFFFFFE0];
	s16 =	sor.u32 $0x4000, s14  }
0x32: {  	s31 =	sshrl.u32 s15, $0x2;
	s15 =	sadd.s32 $0x0, s16  }
0x33: {  	s17 =	simm.s32 $0x4;
	s18 =	sadd.s32 $0x40, s18;
	s14 =	sor.u32 $0x4000, s31;
	[tilespmem:s15+$0x1830 ss:$0x81] =	vst.msk $0xffff, v3  }
.LBB1_3:
0x34: {  	v3 =	vld [tilespmem:s18+$0x10];
	p1 =	sne.s32 s17, $0x1FC;
	[tilespmem:s15+$0x810 ss:$0x81] =	vst.msk $0xffff, v2;
	s19 =	smov.u32 s17;
	s17 =	sadd.s32 $0x4, s17  }
.Ltmp3:
0x35: {  	v2 =	vld [tilespmem:s18+$0xFFFFFFF0];
	[tilespmem:s15+$0x1020 ss:$0x81] =	vst.msk $0xffff, v0;
	(pc) =	sbr.rel @p1 .LBB1_3-.Ltmp3, $4  }
0x36: {  	v0 =	vld [tilespmem:s18+$0x0];
	[tilespmem:s15+$0x0 ss:$0x81] =	vst.msk $0xffff, v1  }
0x37: {  	s15 =	sshra.s32 s19, $0x2;
	v1 =	vld [tilespmem:s18+$0xFFFFFFE0]  }
0x38: {  	s15 =	sadd.s32 s15, s16  }
0x39: {  	s18 =	sadd.s32 $0x40, s18;
	[tilespmem:s15+$0x1830 ss:$0x81] =	vst.msk $0xffff, v3  }
.Ltmp4:
0x3a: {  	_ = 	snop;
	(pc) =	sbr.rel .LBB1_4-.Ltmp4, $1  }
0x3b: {  	_ =	sdelay $0x3  }
.LBB1_6:
0x3c: {  	_ =	sfence.sel $0x180000  }
0x3d: {  	s2 =	simm.s32 $0x1;
	[bflag:$0x0] =	sbarrier.arrive $0xFFFF  }
0x3e: {  	s31 =	simm.s32 $0x2;
	[sflag:s2] =	ssyncpa.u1 $0x1  }
0x3f: {  	[sflag:s31] =	ssyncpa.u1 $0x1  }
0x40: {  	p0 =	sne.s32 s0, $0x0;
	_ =	strace $0x9000004A  }
0x41: {  	s0 =	sadd.s32 @!p0 $0x100000, s1;
	[bflag:$0x2] =	sbarrier.arrive $0xFFFF  }
0x42: {  	[sflag:s0] =	ssyncadd.tile.s32 @!p0 $0x1;
	_ =	shalt  }
.Lfunc_end1:
_tile_overlayer_lowered:
.L_overlay_start_2:
0x43: {  	(tag) =	ssettag $0x2  }
0x44: {  	s0 =	rddreg [dreg:$0x0];
	s2 =	stileid.u32  }
0x45: {  	s1 =	rddreg [dreg:$0x1];
	p0 =	sne.s32 s2, $0x0  }
0x46: {  	s3 =	rddreg [dreg:$0x2];
	[bflag:$0x3] =	sbarrier.arrive $0xFFFF;
	s2 =	simm.s32 @!p0 $0x1C01  }
0x47: {  	[timem:s3], [sflag:s2] =	dma.local @!p0 [hbm:s0], s1  }
0x48: {  	s0 =	simm.s32 @!p0 $0x1  }
0x49: {  	_ =	swait.ge @!p0 [sflag:s0], s1  }
0x4a: {  	s1 =	ssub.s32 @!p0 $0x0, s1;
	[sflag:s0] =	ssyncset.done @!p0 $0x0  }
0x4b: {  	[sflag:s0] =	ssyncadd.s32 @!p0 s1  }
0x4c: {  	[bflag:$0x3] =	sbarrier.arrive $0xFFFF  }
0x4d: {  	_ =	shalt  }

</sc_bundles>
